<compile_context>
chip_gen: v7x
topology: tpu7x:2x2x1
jax: 0.10.2.dev20260603
libtpu: 0.0.44.dev20260713+nightly
codegen_flags: <defaults>
</compile_context>

<pallas_src>
import functools

import jax
import jax.numpy as jnp
from jax import lax
from jax.experimental import pallas as pl
from jax.experimental.pallas import tpu as pltpu
from jax.experimental.pallas import tpu_sc as plsc

B, S, C = 4, 4096, 2048
NUM_CORES = 2
NUM_SUBCORES = 16
NW = NUM_CORES * NUM_SUBCORES
CPW = 128
NCB = C // CPW
NSTRIP = B * NCB
LANES = 16
G = CPW // LANES
S_CHUNK = 128
N_CHUNK = S // S_CHUNK
NBUF = 2

_mesh = plsc.VectorSubcoreMesh(core_axis_name="c", subcore_axis_name="s")


@functools.partial(
    pl.kernel,
    mesh=_mesh,
    out_type=jax.ShapeDtypeStruct((B, S, C), jnp.float32),
    scratch_types=(
        [pltpu.VMEM((S_CHUNK, CPW), jnp.float32) for _ in range(2 * NBUF)]
        + [pltpu.SemaphoreType.DMA for _ in range(2 * NBUF)]
    ),
)
def _cumsum_sc(x_hbm, out_hbm, in0, in1, ob0, ob1, is0, is1, os0, os1):
    wid = lax.axis_index("c") * NUM_SUBCORES + lax.axis_index("s")
    in_bufs, out_bufs = [in0, in1], [ob0, ob1]
    in_sems, out_sems = [is0, is1], [os0, os1]

    def row_body(ibuf, obuf):
        def body(s, carries):
            new = []
            for g in range(G):
                acc = carries[g] + ibuf[s, pl.ds(g * LANES, LANES)]
                obuf[s, pl.ds(g * LANES, LANES)] = acc
                new.append(acc)
            return tuple(new)
        return body

    for strip in range(NSTRIP // NW):
        sid = strip * NW + wid
        b = sid // NCB
        c0 = (sid % NCB) * CPW

        def src(k):
            return x_hbm.at[b, pl.ds(k * S_CHUNK, S_CHUNK), pl.ds(c0, CPW)]

        def dst(k):
            return out_hbm.at[b, pl.ds(k * S_CHUNK, S_CHUNK), pl.ds(c0, CPW)]

        for j in range(NBUF):
            pltpu.async_copy(src(j), in_bufs[j], in_sems[j])

        carries = tuple(jnp.zeros((LANES,), jnp.float32) for _ in range(G))

        for j in range(NBUF):
            pltpu.make_async_copy(src(j), in_bufs[j], in_sems[j]).wait()
            carries = lax.fori_loop(
                0, S_CHUNK, row_body(in_bufs[j], out_bufs[j]), carries
            )
            pltpu.async_copy(src(NBUF + j), in_bufs[j], in_sems[j])
            pltpu.async_copy(out_bufs[j], dst(j), out_sems[j])

        def outer_body(g_it, carries):
            k0 = g_it * NBUF
            for j in range(NBUF):
                k = k0 + j
                pltpu.make_async_copy(src(k), in_bufs[j], in_sems[j]).wait()
                pltpu.make_async_copy(out_bufs[j], dst(k), out_sems[j]).wait()
                carries = lax.fori_loop(
                    0, S_CHUNK, row_body(in_bufs[j], out_bufs[j]), carries
                )
                @pl.when(k + NBUF < N_CHUNK)
                def _():
                    pltpu.async_copy(src(k + NBUF), in_bufs[j], in_sems[j])
                pltpu.async_copy(out_bufs[j], dst(k), out_sems[j])
            return carries

        lax.fori_loop(1, N_CHUNK // NBUF, outer_body, carries)

        for j in range(NBUF):
            k = N_CHUNK - NBUF + j
            pltpu.make_async_copy(out_bufs[j], dst(k), out_sems[j]).wait()


def kernel(x):
    return _cumsum_sc(x)

# --- scband reference (transcript-rebuilt; emitter-appended) ---
"""Pipeline reference for scband-model-new-23656679867438 (READ-ONLY COPY).

The authoritative reference and input builder live on the scoring server;
editing this copy changes nothing except your own understanding.
"""

import jax, jax.numpy as jnp
import numpy as np

def setup_inputs(seed: int = 0) -> dict:
    key = jax.random.key(seed)
    x = jax.random.normal(key, (4, 4096, 2048), dtype=jnp.float32)
    return {"x": x}

def reference(x):
    # Faithful translation of the CUDA module: cumulative sum along dim=1,
    # computed in float32 and cast back to the original dtype.
    orig_dtype = x.dtype
    out = jnp.cumsum(x.astype(jnp.float32), axis=1)
    return out.astype(orig_dtype)

if __name__ == "__main__":
    import jax
    _d = setup_inputs()
    print(jax.jit(kernel)(*tuple(_d.values())))

</pallas_src>

<mosaic_0001>
#map = affine_map<(d0, d1) -> (0, 0, 0)>
module attributes {stable_mosaic.version = 14 : i64} {
  func.func @_cumsum_sc(%arg0: i32, %arg1: i32, %arg2: memref<4x4096x2048xf32, #tpu.memory_space<hbm>>, %arg3: memref<4x4096x2048xf32, #tpu.memory_space<hbm>>, %arg4: memref<128x128xf32, #tpu.memory_space<vmem>>, %arg5: memref<128x128xf32, #tpu.memory_space<vmem>>, %arg6: memref<128x128xf32, #tpu.memory_space<vmem>>, %arg7: memref<128x128xf32, #tpu.memory_space<vmem>>, %arg8: memref<!tpu.dma_semaphore, #tpu.memory_space<semaphore_mem>>, %arg9: memref<!tpu.dma_semaphore, #tpu.memory_space<semaphore_mem>>, %arg10: memref<!tpu.dma_semaphore, #tpu.memory_space<semaphore_mem>>, %arg11: memref<!tpu.dma_semaphore, #tpu.memory_space<semaphore_mem>>) attributes {dimension_semantics = [#tpu.dimension_semantics<core_parallel>, #tpu.dimension_semantics<subcore_parallel>], iteration_bounds = array<i64: 2, 16>, scalar_prefetch = 0 : i64, scratch_operands = 8 : i64, tpu.core_type = #tpu.core_type<sc_vector_subcore>, window_params = [{transform_indices = #map}, {transform_indices = #map}]} {
    %mul3A = arith.constant 16 : i32
    %mul3A_0 = arith.muli %arg0, %mul3A : i32
    %add3A = arith.addi %mul3A_0, %arg1 : i32
    %add3A_1 = arith.constant 0 : i32
    %add3A_2 = arith.addi %add3A_1, %add3A : i32
    %jit3A = arith.constant 16 : i32
    %div3A = arith.divsi %add3A_2, %jit3A : i32
    %sign3A = arith.constant 0 : i32
    %sign3A_3 = arith.cmpi sgt, %add3A_2, %sign3A : i32
    %sign3A_4 = arith.extui %sign3A_3 : i1 to i32
    %sign3A_5 = arith.constant 0 : i32
    %sign3A_6 = arith.cmpi slt, %add3A_2, %sign3A_5 : i32
    %sign3A_7 = arith.extui %sign3A_6 : i1 to i32
    %sign3A_8 = arith.subi %sign3A_4, %sign3A_7 : i32
    %sign3A_9 = arith.constant 0 : i32
    %sign3A_10 = arith.cmpi sgt, %jit3A, %sign3A_9 : i32
    %sign3A_11 = arith.extui %sign3A_10 : i1 to i32
    %sign3A_12 = arith.constant 0 : i32
    %sign3A_13 = arith.cmpi slt, %jit3A, %sign3A_12 : i32
    %sign3A_14 = arith.extui %sign3A_13 : i1 to i32
    %sign3A_15 = arith.subi %sign3A_11, %sign3A_14 : i32
    %ne3A = arith.cmpi ne, %sign3A_8, %sign3A_15 : i32
    %rem3A = arith.remsi %add3A_2, %jit3A : i32
    %ne3A_16 = arith.constant 0 : i32
    %ne3A_17 = arith.cmpi ne, %rem3A, %ne3A_16 : i32
    %and3A = arith.andi %ne3A, %ne3A_17 : i1
    %sub3A = arith.constant 1 : i32
    %sub3A_18 = arith.subi %div3A, %sub3A : i32
    %select_n3A = arith.select %and3A, %sub3A_18, %div3A : i32
    %jit3A_19 = arith.constant 16 : i32
    %eq3A = arith.constant 0 : i32
    %eq3A_20 = arith.cmpi eq, %jit3A_19, %eq3A : i32
    %jit3A_21 = arith.constant 1 : i32
    %select_n3A_22 = arith.select %eq3A_20, %jit3A_21, %jit3A_19 : i32
    %rem3A_23 = arith.remsi %add3A_2, %select_n3A_22 : i32
    %ne3A_24 = arith.constant 0 : i32
    %ne3A_25 = arith.cmpi ne, %rem3A_23, %ne3A_24 : i32
    %lt3A = arith.constant 0 : i32
    %lt3A_26 = arith.cmpi slt, %rem3A_23, %lt3A : i32
    %lt3A_27 = arith.constant 0 : i32
    %lt3A_28 = arith.cmpi slt, %select_n3A_22, %lt3A_27 : i32
    %ne3A_29 = arith.xori %lt3A_26, %lt3A_28 : i1
    %and3A_30 = arith.andi %ne3A_29, %ne3A_25 : i1
    %add3A_31 = arith.addi %rem3A_23, %select_n3A_22 : i32
    %select_n3A_32 = arith.select %and3A_30, %add3A_31, %rem3A_23 : i32
    %mul3A_33 = arith.constant 128 : i32
    %mul3A_34 = arith.muli %select_n3A_32, %mul3A_33 : i32
    %dma_start3A = arith.constant 0 : i32
    %dma_start3A_35 = tpu.memref_slice %arg2[%select_n3A, %dma_start3A, %mul3A_34] : memref<4x4096x2048xf32, #tpu.memory_space<hbm>> -> memref<1x128x128xf32, #tpu.memory_space<hbm>>
    %dma_start3A_36 = tpu.memref_squeeze %dma_start3A_35 : memref<1x128x128xf32, #tpu.memory_space<hbm>> -> memref<128x128xf32, #tpu.memory_space<hbm>>
    %dma_start3A_37 = arith.constant 0 : i32
    %dma_start3A_38 = tpu.memref_slice %arg2[%select_n3A, %dma_start3A_37, %mul3A_34] : memref<4x4096x2048xf32, #tpu.memory_space<hbm>> -> memref<1x128x128xf32, #tpu.memory_space<hbm>>
    %dma_start3A_39 = tpu.memref_squeeze %dma_start3A_38 : memref<1x128x128xf32, #tpu.memory_space<hbm>> -> memref<128x128xf32, #tpu.memory_space<hbm>>
    tpu.enqueue_dma source(%dma_start3A_39 : memref<128x128xf32, #tpu.memory_space<hbm>>) target(%arg4 : memref<128x128xf32, #tpu.memory_space<vmem>>) target_semaphore(%arg8 : memref<!tpu.dma_semaphore, #tpu.memory_space<semaphore_mem>>)
    %dma_start3A_40 = arith.constant 128 : i32
    %dma_start3A_41 = tpu.memref_slice %arg2[%select_n3A, %dma_start3A_40, %mul3A_34] : memref<4x4096x2048xf32, #tpu.memory_space<hbm>> -> memref<1x128x128xf32, #tpu.memory_space<hbm>>
    %dma_start3A_42 = tpu.memref_squeeze %dma_start3A_41 : memref<1x128x128xf32, #tpu.memory_space<hbm>> -> memref<128x128xf32, #tpu.memory_space<hbm>>
    %dma_start3A_43 = arith.constant 128 : i32
    %dma_start3A_44 = tpu.memref_slice %arg2[%select_n3A, %dma_start3A_43, %mul3A_34] : memref<4x4096x2048xf32, #tpu.memory_space<hbm>> -> memref<1x128x128xf32, #tpu.memory_space<hbm>>
    %dma_start3A_45 = tpu.memref_squeeze %dma_start3A_44 : memref<1x128x128xf32, #tpu.memory_space<hbm>> -> memref<128x128xf32, #tpu.memory_space<hbm>>
    tpu.enqueue_dma source(%dma_start3A_45 : memref<128x128xf32, #tpu.memory_space<hbm>>) target(%arg5 : memref<128x128xf32, #tpu.memory_space<vmem>>) target_semaphore(%arg9 : memref<!tpu.dma_semaphore, #tpu.memory_space<semaphore_mem>>)
    %broadcast_in_dim3A = arith.constant 0.000000e+00 : f32
    %broadcast_in_dim3A_46 = vector.broadcast %broadcast_in_dim3A : f32 to vector<16xf32>
    %broadcast_in_dim3A_47 = arith.constant 0.000000e+00 : f32
    %broadcast_in_dim3A_48 = vector.broadcast %broadcast_in_dim3A_47 : f32 to vector<16xf32>
    %broadcast_in_dim3A_49 = arith.constant 0.000000e+00 : f32
    %broadcast_in_dim3A_50 = vector.broadcast %broadcast_in_dim3A_49 : f32 to vector<16xf32>
    %broadcast_in_dim3A_51 = arith.constant 0.000000e+00 : f32
    %broadcast_in_dim3A_52 = vector.broadcast %broadcast_in_dim3A_51 : f32 to vector<16xf32>
    %broadcast_in_dim3A_53 = arith.constant 0.000000e+00 : f32
    %broadcast_in_dim3A_54 = vector.broadcast %broadcast_in_dim3A_53 : f32 to vector<16xf32>
    %broadcast_in_dim3A_55 = arith.constant 0.000000e+00 : f32
    %broadcast_in_dim3A_56 = vector.broadcast %broadcast_in_dim3A_55 : f32 to vector<16xf32>
    %broadcast_in_dim3A_57 = arith.constant 0.000000e+00 : f32
    %broadcast_in_dim3A_58 = vector.broadcast %broadcast_in_dim3A_57 : f32 to vector<16xf32>
    %broadcast_in_dim3A_59 = arith.constant 0.000000e+00 : f32
    %broadcast_in_dim3A_60 = vector.broadcast %broadcast_in_dim3A_59 : f32 to vector<16xf32>
    %dma_wait3A = arith.constant 0 : i32
    %dma_wait3A_61 = tpu.memref_slice %arg2[%select_n3A, %dma_wait3A, %mul3A_34] : memref<4x4096x2048xf32, #tpu.memory_space<hbm>> -> memref<1x128x128xf32, #tpu.memory_space<hbm>>
    %dma_wait3A_62 = tpu.memref_squeeze %dma_wait3A_61 : memref<1x128x128xf32, #tpu.memory_space<hbm>> -> memref<128x128xf32, #tpu.memory_space<hbm>>
    %dma_wait3A_63 = arith.constant 0 : i32
    %dma_wait3A_64 = tpu.memref_slice %arg2[%select_n3A, %dma_wait3A_63, %mul3A_34] : memref<4x4096x2048xf32, #tpu.memory_space<hbm>> -> memref<1x128x128xf32, #tpu.memory_space<hbm>>
    %dma_wait3A_65 = tpu.memref_squeeze %dma_wait3A_64 : memref<1x128x128xf32, #tpu.memory_space<hbm>> -> memref<128x128xf32, #tpu.memory_space<hbm>>
    tpu.wait_dma2 semaphore(%arg8 : memref<!tpu.dma_semaphore, #tpu.memory_space<semaphore_mem>>) src(%dma_wait3A_65 : memref<128x128xf32, #tpu.memory_space<hbm>>) dst(%arg4 : memref<128x128xf32, #tpu.memory_space<vmem>>)
    %scan3A = arith.constant 0 : i32
    %scan3A_66 = arith.constant 128 : i32
    %scan3A_67 = arith.addi %scan3A, %scan3A_66 : i32
    %scan3A_68 = arith.constant 1 : i32
    %scan3A_69:8 = scf.for %scan3A_263 = %scan3A to %scan3A_67 step %scan3A_68 iter_args(%scan3A_264 = %broadcast_in_dim3A_46, %scan3A_265 = %broadcast_in_dim3A_48, %scan3A_266 = %broadcast_in_dim3A_50, %scan3A_267 = %broadcast_in_dim3A_52, %scan3A_268 = %broadcast_in_dim3A_54, %scan3A_269 = %broadcast_in_dim3A_56, %scan3A_270 = %broadcast_in_dim3A_58, %scan3A_271 = %broadcast_in_dim3A_60) -> (vector<16xf32>, vector<16xf32>, vector<16xf32>, vector<16xf32>, vector<16xf32>, vector<16xf32>, vector<16xf32>, vector<16xf32>)  : i32 {
      %get3A = arith.index_cast %scan3A_263 : i32 to index
      %get3A_272 = arith.constant 0 : index
      %get3A_273 = tpu.vector_load %arg4[%get3A, %get3A_272] {strides = array<i32>} : memref<128x128xf32, #tpu.memory_space<vmem>>, vector<1x16xf32>,
      %get3A_274 = vector.shape_cast %get3A_273 : vector<1x16xf32> to vector<16xf32>
      %add3A_275 = arith.addf %scan3A_264, %get3A_274 : vector<16xf32>
      %swap3A = arith.index_cast %scan3A_263 : i32 to index
      %swap3A_276 = arith.constant 0 : index
      %swap3A_277 = tpu.vector_load %arg6[%swap3A, %swap3A_276] {strides = array<i32>} : memref<128x128xf32, #tpu.memory_space<vmem>>, vector<1x16xf32>,
      %swap3A_278 = vector.shape_cast %swap3A_277 : vector<1x16xf32> to vector<16xf32>
      %swap3A_279 = vector.shape_cast %add3A_275 : vector<16xf32> to vector<1x16xf32>
      tpu.vector_store %arg6[%swap3A, %swap3A_276], %swap3A_279 {strides = array<i32>} : memref<128x128xf32, #tpu.memory_space<vmem>>, vector<1x16xf32>,
      %get3A_280 = arith.index_cast %scan3A_263 : i32 to index
      %get3A_281 = arith.constant 16 : index
      %get3A_282 = tpu.vector_load %arg4[%get3A_280, %get3A_281] {strides = array<i32>} : memref<128x128xf32, #tpu.memory_space<vmem>>, vector<1x16xf32>,
      %get3A_283 = vector.shape_cast %get3A_282 : vector<1x16xf32> to vector<16xf32>
      %add3A_284 = arith.addf %scan3A_265, %get3A_283 : vector<16xf32>
      %swap3A_285 = arith.index_cast %scan3A_263 : i32 to index
      %swap3A_286 = arith.constant 16 : index
      %swap3A_287 = tpu.vector_load %arg6[%swap3A_285, %swap3A_286] {strides = array<i32>} : memref<128x128xf32, #tpu.memory_space<vmem>>, vector<1x16xf32>,
      %swap3A_288 = vector.shape_cast %swap3A_287 : vector<1x16xf32> to vector<16xf32>
      %swap3A_289 = vector.shape_cast %add3A_284 : vector<16xf32> to vector<1x16xf32>
      tpu.vector_store %arg6[%swap3A_285, %swap3A_286], %swap3A_289 {strides = array<i32>} : memref<128x128xf32, #tpu.memory_space<vmem>>, vector<1x16xf32>,
      %get3A_290 = arith.index_cast %scan3A_263 : i32 to index
      %get3A_291 = arith.constant 32 : index
      %get3A_292 = tpu.vector_load %arg4[%get3A_290, %get3A_291] {strides = array<i32>} : memref<128x128xf32, #tpu.memory_space<vmem>>, vector<1x16xf32>,
      %get3A_293 = vector.shape_cast %get3A_292 : vector<1x16xf32> to vector<16xf32>
      %add3A_294 = arith.addf %scan3A_266, %get3A_293 : vector<16xf32>
      %swap3A_295 = arith.index_cast %scan3A_263 : i32 to index
      %swap3A_296 = arith.constant 32 : index
      %swap3A_297 = tpu.vector_load %arg6[%swap3A_295, %swap3A_296] {strides = array<i32>} : memref<128x128xf32, #tpu.memory_space<vmem>>, vector<1x16xf32>,
      %swap3A_298 = vector.shape_cast %swap3A_297 : vector<1x16xf32> to vector<16xf32>
      %swap3A_299 = vector.shape_cast %add3A_294 : vector<16xf32> to vector<1x16xf32>
      tpu.vector_store %arg6[%swap3A_295, %swap3A_296], %swap3A_299 {strides = array<i32>} : memref<128x128xf32, #tpu.memory_space<vmem>>, vector<1x16xf32>,
      %get3A_300 = arith.index_cast %scan3A_263 : i32 to index
      %get3A_301 = arith.constant 48 : index
      %get3A_302 = tpu.vector_load %arg4[%get3A_300, %get3A_301] {strides = array<i32>} : memref<128x128xf32, #tpu.memory_space<vmem>>, vector<1x16xf32>,
      %get3A_303 = vector.shape_cast %get3A_302 : vector<1x16xf32> to vector<16xf32>
      %add3A_304 = arith.addf %scan3A_267, %get3A_303 : vector<16xf32>
      %swap3A_305 = arith.index_cast %scan3A_263 : i32 to index
      %swap3A_306 = arith.constant 48 : index
      %swap3A_307 = tpu.vector_load %arg6[%swap3A_305, %swap3A_306] {strides = array<i32>} : memref<128x128xf32, #tpu.memory_space<vmem>>, vector<1x16xf32>,
      %swap3A_308 = vector.shape_cast %swap3A_307 : vector<1x16xf32> to vector<16xf32>
      %swap3A_309 = vector.shape_cast %add3A_304 : vector<16xf32> to vector<1x16xf32>
      tpu.vector_store %arg6[%swap3A_305, %swap3A_306], %swap3A_309 {strides = array<i32>} : memref<128x128xf32, #tpu.memory_space<vmem>>, vector<1x16xf32>,
      %get3A_310 = arith.index_cast %scan3A_263 : i32 to index
      %get3A_311 = arith.constant 64 : index
      %get3A_312 = tpu.vector_load %arg4[%get3A_310, %get3A_311] {strides = array<i32>} : memref<128x128xf32, #tpu.memory_space<vmem>>, vector<1x16xf32>,
      %get3A_313 = vector.shape_cast %get3A_312 : vector<1x16xf32> to vector<16xf32>
      %add3A_314 = arith.addf %scan3A_268, %get3A_313 : vector<16xf32>
      %swap3A_315 = arith.index_cast %scan3A_263 : i32 to index
      %swap3A_316 = arith.constant 64 : index
      %swap3A_317 = tpu.vector_load %arg6[%swap3A_315, %swap3A_316] {strides = array<i32>} : memref<128x128xf32, #tpu.memory_space<vmem>>, vector<1x16xf32>,
      %swap3A_318 = vector.shape_cast %swap3A_317 : vector<1x16xf32> to vector<16xf32>
      %swap3A_319 = vector.shape_cast %add3A_314 : vector<16xf32> to vector<1x16xf32>
      tpu.vector_store %arg6[%swap3A_315, %swap3A_316], %swap3A_319 {strides = array<i32>} : memref<128x128xf32, #tpu.memory_space<vmem>>, vector<1x16xf32>,
      %get3A_320 = arith.index_cast %scan3A_263 : i32 to index
      %get3A_321 = arith.constant 80 : index
      %get3A_322 = tpu.vector_load %arg4[%get3A_320, %get3A_321] {strides = array<i32>} : memref<128x128xf32, #tpu.memory_space<vmem>>, vector<1x16xf32>,
      %get3A_323 = vector.shape_cast %get3A_322 : vector<1x16xf32> to vector<16xf32>
      %add3A_324 = arith.addf %scan3A_269, %get3A_323 : vector<16xf32>
      %swap3A_325 = arith.index_cast %scan3A_263 : i32 to index
      %swap3A_326 = arith.constant 80 : index
      %swap3A_327 = tpu.vector_load %arg6[%swap3A_325, %swap3A_326] {strides = array<i32>} : memref<128x128xf32, #tpu.memory_space<vmem>>, vector<1x16xf32>,
      %swap3A_328 = vector.shape_cast %swap3A_327 : vector<1x16xf32> to vector<16xf32>
      %swap3A_329 = vector.shape_cast %add3A_324 : vector<16xf32> to vector<1x16xf32>
      tpu.vector_store %arg6[%swap3A_325, %swap3A_326], %swap3A_329 {strides = array<i32>} : memref<128x128xf32, #tpu.memory_space<vmem>>, vector<1x16xf32>,
      %get3A_330 = arith.index_cast %scan3A_263 : i32 to index
      %get3A_331 = arith.constant 96 : index
      %get3A_332 = tpu.vector_load %arg4[%get3A_330, %get3A_331] {strides = array<i32>} : memref<128x128xf32, #tpu.memory_space<vmem>>, vector<1x16xf32>,
      %get3A_333 = vector.shape_cast %get3A_332 : vector<1x16xf32> to vector<16xf32>
      %add3A_334 = arith.addf %scan3A_270, %get3A_333 : vector<16xf32>
      %swap3A_335 = arith.index_cast %scan3A_263 : i32 to index
      %swap3A_336 = arith.constant 96 : index
      %swap3A_337 = tpu.vector_load %arg6[%swap3A_335, %swap3A_336] {strides = array<i32>} : memref<128x128xf32, #tpu.memory_space<vmem>>, vector<1x16xf32>,
      %swap3A_338 = vector.shape_cast %swap3A_337 : vector<1x16xf32> to vector<16xf32>
      %swap3A_339 = vector.shape_cast %add3A_334 : vector<16xf32> to vector<1x16xf32>
      tpu.vector_store %arg6[%swap3A_335, %swap3A_336], %swap3A_339 {strides = array<i32>} : memref<128x128xf32, #tpu.memory_space<vmem>>, vector<1x16xf32>,
      %get3A_340 = arith.index_cast %scan3A_263 : i32 to index
      %get3A_341 = arith.constant 112 : index
      %get3A_342 = tpu.vector_load %arg4[%get3A_340, %get3A_341] {strides = array<i32>} : memref<128x128xf32, #tpu.memory_space<vmem>>, vector<1x16xf32>,
      %get3A_343 = vector.shape_cast %get3A_342 : vector<1x16xf32> to vector<16xf32>
      %add3A_344 = arith.addf %scan3A_271, %get3A_343 : vector<16xf32>
      %swap3A_345 = arith.index_cast %scan3A_263 : i32 to index
      %swap3A_346 = arith.constant 112 : index
      %swap3A_347 = tpu.vector_load %arg6[%swap3A_345, %swap3A_346] {strides = array<i32>} : memref<128x128xf32, #tpu.memory_space<vmem>>, vector<1x16xf32>,
      %swap3A_348 = vector.shape_cast %swap3A_347 : vector<1x16xf32> to vector<16xf32>
      %swap3A_349 = vector.shape_cast %add3A_344 : vector<16xf32> to vector<1x16xf32>
      tpu.vector_store %arg6[%swap3A_345, %swap3A_346], %swap3A_349 {strides = array<i32>} : memref<128x128xf32, #tpu.memory_space<vmem>>, vector<1x16xf32>,
      scf.yield %add3A_275, %add3A_284, %add3A_294, %add3A_304, %add3A_314, %add3A_324, %add3A_334, %add3A_344 : vector<16xf32>, vector<16xf32>, vector<16xf32>, vector<16xf32>, vector<16xf32>, vector<16xf32>, vector<16xf32>, vector<16xf32>
    }
    %scan3A_70 = arith.constant 128 : i32
    %dma_start3A_71 = arith.constant 256 : i32
    %dma_start3A_72 = tpu.memref_slice %arg2[%select_n3A, %dma_start3A_71, %mul3A_34] : memref<4x4096x2048xf32, #tpu.memory_space<hbm>> -> memref<1x128x128xf32, #tpu.memory_space<hbm>>
    %dma_start3A_73 = tpu.memref_squeeze %dma_start3A_72 : memref<1x128x128xf32, #tpu.memory_space<hbm>> -> memref<128x128xf32, #tpu.memory_space<hbm>>
    %dma_start3A_74 = arith.constant 256 : i32
    %dma_start3A_75 = tpu.memref_slice %arg2[%select_n3A, %dma_start3A_74, %mul3A_34] : memref<4x4096x2048xf32, #tpu.memory_space<hbm>> -> memref<1x128x128xf32, #tpu.memory_space<hbm>>
    %dma_start3A_76 = tpu.memref_squeeze %dma_start3A_75 : memref<1x128x128xf32, #tpu.memory_space<hbm>> -> memref<128x128xf32, #tpu.memory_space<hbm>>
    tpu.enqueue_dma source(%dma_start3A_76 : memref<128x128xf32, #tpu.memory_space<hbm>>) target(%arg4 : memref<128x128xf32, #tpu.memory_space<vmem>>) target_semaphore(%arg8 : memref<!tpu.dma_semaphore, #tpu.memory_space<semaphore_mem>>)
    %dma_start3A_77 = arith.constant 0 : i32
    %dma_start3A_78 = tpu.memref_slice %arg3[%select_n3A, %dma_start3A_77, %mul3A_34] : memref<4x4096x2048xf32, #tpu.memory_space<hbm>> -> memref<1x128x128xf32, #tpu.memory_space<hbm>>
    %dma_start3A_79 = tpu.memref_squeeze %dma_start3A_78 : memref<1x128x128xf32, #tpu.memory_space<hbm>> -> memref<128x128xf32, #tpu.memory_space<hbm>>
    %dma_start3A_80 = arith.constant 0 : i32
    %dma_start3A_81 = tpu.memref_slice %arg3[%select_n3A, %dma_start3A_80, %mul3A_34] : memref<4x4096x2048xf32, #tpu.memory_space<hbm>> -> memref<1x128x128xf32, #tpu.memory_space<hbm>>
    %dma_start3A_82 = tpu.memref_squeeze %dma_start3A_81 : memref<1x128x128xf32, #tpu.memory_space<hbm>> -> memref<128x128xf32, #tpu.memory_space<hbm>>
    tpu.enqueue_dma source(%arg6 : memref<128x128xf32, #tpu.memory_space<vmem>>) target(%dma_start3A_82 : memref<128x128xf32, #tpu.memory_space<hbm>>) target_semaphore(%arg10 : memref<!tpu.dma_semaphore, #tpu.memory_space<semaphore_mem>>)
    %dma_wait3A_83 = arith.constant 128 : i32
    %dma_wait3A_84 = tpu.memref_slice %arg2[%select_n3A, %dma_wait3A_83, %mul3A_34] : memref<4x4096x2048xf32, #tpu.memory_space<hbm>> -> memref<1x128x128xf32, #tpu.memory_space<hbm>>
    %dma_wait3A_85 = tpu.memref_squeeze %dma_wait3A_84 : memref<1x128x128xf32, #tpu.memory_space<hbm>> -> memref<128x128xf32, #tpu.memory_space<hbm>>
    %dma_wait3A_86 = arith.constant 128 : i32
    %dma_wait3A_87 = tpu.memref_slice %arg2[%select_n3A, %dma_wait3A_86, %mul3A_34] : memref<4x4096x2048xf32, #tpu.memory_space<hbm>> -> memref<1x128x128xf32, #tpu.memory_space<hbm>>
    %dma_wait3A_88 = tpu.memref_squeeze %dma_wait3A_87 : memref<1x128x128xf32, #tpu.memory_space<hbm>> -> memref<128x128xf32, #tpu.memory_space<hbm>>
    tpu.wait_dma2 semaphore(%arg9 : memref<!tpu.dma_semaphore, #tpu.memory_space<semaphore_mem>>) src(%dma_wait3A_88 : memref<128x128xf32, #tpu.memory_space<hbm>>) dst(%arg5 : memref<128x128xf32, #tpu.memory_space<vmem>>)
    %scan3A_89 = arith.constant 0 : i32
    %scan3A_90 = arith.constant 128 : i32
    %scan3A_91 = arith.addi %scan3A_89, %scan3A_90 : i32
    %scan3A_92 = arith.constant 1 : i32
    %scan3A_93:8 = scf.for %scan3A_263 = %scan3A_89 to %scan3A_91 step %scan3A_92 iter_args(%scan3A_264 = %scan3A_69#0, %scan3A_265 = %scan3A_69#1, %scan3A_266 = %scan3A_69#2, %scan3A_267 = %scan3A_69#3, %scan3A_268 = %scan3A_69#4, %scan3A_269 = %scan3A_69#5, %scan3A_270 = %scan3A_69#6, %scan3A_271 = %scan3A_69#7) -> (vector<16xf32>, vector<16xf32>, vector<16xf32>, vector<16xf32>, vector<16xf32>, vector<16xf32>, vector<16xf32>, vector<16xf32>)  : i32 {
      %get3A = arith.index_cast %scan3A_263 : i32 to index
      %get3A_272 = arith.constant 0 : index
      %get3A_273 = tpu.vector_load %arg5[%get3A, %get3A_272] {strides = array<i32>} : memref<128x128xf32, #tpu.memory_space<vmem>>, vector<1x16xf32>,
      %get3A_274 = vector.shape_cast %get3A_273 : vector<1x16xf32> to vector<16xf32>
      %add3A_275 = arith.addf %scan3A_264, %get3A_274 : vector<16xf32>
      %swap3A = arith.index_cast %scan3A_263 : i32 to index
      %swap3A_276 = arith.constant 0 : index
      %swap3A_277 = tpu.vector_load %arg7[%swap3A, %swap3A_276] {strides = array<i32>} : memref<128x128xf32, #tpu.memory_space<vmem>>, vector<1x16xf32>,
      %swap3A_278 = vector.shape_cast %swap3A_277 : vector<1x16xf32> to vector<16xf32>
      %swap3A_279 = vector.shape_cast %add3A_275 : vector<16xf32> to vector<1x16xf32>
      tpu.vector_store %arg7[%swap3A, %swap3A_276], %swap3A_279 {strides = array<i32>} : memref<128x128xf32, #tpu.memory_space<vmem>>, vector<1x16xf32>,
      %get3A_280 = arith.index_cast %scan3A_263 : i32 to index
      %get3A_281 = arith.constant 16 : index
      %get3A_282 = tpu.vector_load %arg5[%get3A_280, %get3A_281] {strides = array<i32>} : memref<128x128xf32, #tpu.memory_space<vmem>>, vector<1x16xf32>,
      %get3A_283 = vector.shape_cast %get3A_282 : vector<1x16xf32> to vector<16xf32>
      %add3A_284 = arith.addf %scan3A_265, %get3A_283 : vector<16xf32>
      %swap3A_285 = arith.index_cast %scan3A_263 : i32 to index
      %swap3A_286 = arith.constant 16 : index
      %swap3A_287 = tpu.vector_load %arg7[%swap3A_285, %swap3A_286] {strides = array<i32>} : memref<128x128xf32, #tpu.memory_space<vmem>>, vector<1x16xf32>,
      %swap3A_288 = vector.shape_cast %swap3A_287 : vector<1x16xf32> to vector<16xf32>
      %swap3A_289 = vector.shape_cast %add3A_284 : vector<16xf32> to vector<1x16xf32>
      tpu.vector_store %arg7[%swap3A_285, %swap3A_286], %swap3A_289 {strides = array<i32>} : memref<128x128xf32, #tpu.memory_space<vmem>>, vector<1x16xf32>,
      %get3A_290 = arith.index_cast %scan3A_263 : i32 to index
      %get3A_291 = arith.constant 32 : index
      %get3A_292 = tpu.vector_load %arg5[%get3A_290, %get3A_291] {strides = array<i32>} : memref<128x128xf32, #tpu.memory_space<vmem>>, vector<1x16xf32>,
      %get3A_293 = vector.shape_cast %get3A_292 : vector<1x16xf32> to vector<16xf32>
      %add3A_294 = arith.addf %scan3A_266, %get3A_293 : vector<16xf32>
      %swap3A_295 = arith.index_cast %scan3A_263 : i32 to index
      %swap3A_296 = arith.constant 32 : index
      %swap3A_297 = tpu.vector_load %arg7[%swap3A_295, %swap3A_296] {strides = array<i32>} : memref<128x128xf32, #tpu.memory_space<vmem>>, vector<1x16xf32>,
      %swap3A_298 = vector.shape_cast %swap3A_297 : vector<1x16xf32> to vector<16xf32>
      %swap3A_299 = vector.shape_cast %add3A_294 : vector<16xf32> to vector<1x16xf32>
      tpu.vector_store %arg7[%swap3A_295, %swap3A_296], %swap3A_299 {strides = array<i32>} : memref<128x128xf32, #tpu.memory_space<vmem>>, vector<1x16xf32>,
      %get3A_300 = arith.index_cast %scan3A_263 : i32 to index
      %get3A_301 = arith.constant 48 : index
      %get3A_302 = tpu.vector_load %arg5[%get3A_300, %get3A_301] {strides = array<i32>} : memref<128x128xf32, #tpu.memory_space<vmem>>, vector<1x16xf32>,
      %get3A_303 = vector.shape_cast %get3A_302 : vector<1x16xf32> to vector<16xf32>
      %add3A_304 = arith.addf %scan3A_267, %get3A_303 : vector<16xf32>
      %swap3A_305 = arith.index_cast %scan3A_263 : i32 to index
      %swap3A_306 = arith.constant 48 : index
      %swap3A_307 = tpu.vector_load %arg7[%swap3A_305, %swap3A_306] {strides = array<i32>} : memref<128x128xf32, #tpu.memory_space<vmem>>, vector<1x16xf32>,
      %swap3A_308 = vector.shape_cast %swap3A_307 : vector<1x16xf32> to vector<16xf32>
      %swap3A_309 = vector.shape_cast %add3A_304 : vector<16xf32> to vector<1x16xf32>
      tpu.vector_store %arg7[%swap3A_305, %swap3A_306], %swap3A_309 {strides = array<i32>} : memref<128x128xf32, #tpu.memory_space<vmem>>, vector<1x16xf32>,
      %get3A_310 = arith.index_cast %scan3A_263 : i32 to index
      %get3A_311 = arith.constant 64 : index
      %get3A_312 = tpu.vector_load %arg5[%get3A_310, %get3A_311] {strides = array<i32>} : memref<128x128xf32, #tpu.memory_space<vmem>>, vector<1x16xf32>,
      %get3A_313 = vector.shape_cast %get3A_312 : vector<1x16xf32> to vector<16xf32>
      %add3A_314 = arith.addf %scan3A_268, %get3A_313 : vector<16xf32>
      %swap3A_315 = arith.index_cast %scan3A_263 : i32 to index
      %swap3A_316 = arith.constant 64 : index
      %swap3A_317 = tpu.vector_load %arg7[%swap3A_315, %swap3A_316] {strides = array<i32>} : memref<128x128xf32, #tpu.memory_space<vmem>>, vector<1x16xf32>,
      %swap3A_318 = vector.shape_cast %swap3A_317 : vector<1x16xf32> to vector<16xf32>
      %swap3A_319 = vector.shape_cast %add3A_314 : vector<16xf32> to vector<1x16xf32>
      tpu.vector_store %arg7[%swap3A_315, %swap3A_316], %swap3A_319 {strides = array<i32>} : memref<128x128xf32, #tpu.memory_space<vmem>>, vector<1x16xf32>,
      %get3A_320 = arith.index_cast %scan3A_263 : i32 to index
      %get3A_321 = arith.constant 80 : index
      %get3A_322 = tpu.vector_load %arg5[%get3A_320, %get3A_321] {strides = array<i32>} : memref<128x128xf32, #tpu.memory_space<vmem>>, vector<1x16xf32>,
      %get3A_323 = vector.shape_cast %get3A_322 : vector<1x16xf32> to vector<16xf32>
      %add3A_324 = arith.addf %scan3A_269, %get3A_323 : vector<16xf32>
      %swap3A_325 = arith.index_cast %scan3A_263 : i32 to index
      %swap3A_326 = arith.constant 80 : index
      %swap3A_327 = tpu.vector_load %arg7[%swap3A_325, %swap3A_326] {strides = array<i32>} : memref<128x128xf32, #tpu.memory_space<vmem>>, vector<1x16xf32>,
      %swap3A_328 = vector.shape_cast %swap3A_327 : vector<1x16xf32> to vector<16xf32>
      %swap3A_329 = vector.shape_cast %add3A_324 : vector<16xf32> to vector<1x16xf32>
      tpu.vector_store %arg7[%swap3A_325, %swap3A_326], %swap3A_329 {strides = array<i32>} : memref<128x128xf32, #tpu.memory_space<vmem>>, vector<1x16xf32>,
      %get3A_330 = arith.index_cast %scan3A_263 : i32 to index
      %get3A_331 = arith.constant 96 : index
      %get3A_332 = tpu.vector_load %arg5[%get3A_330, %get3A_331] {strides = array<i32>} : memref<128x128xf32, #tpu.memory_space<vmem>>, vector<1x16xf32>,
      %get3A_333 = vector.shape_cast %get3A_332 : vector<1x16xf32> to vector<16xf32>
      %add3A_334 = arith.addf %scan3A_270, %get3A_333 : vector<16xf32>
      %swap3A_335 = arith.index_cast %scan3A_263 : i32 to index
      %swap3A_336 = arith.constant 96 : index
      %swap3A_337 = tpu.vector_load %arg7[%swap3A_335, %swap3A_336] {strides = array<i32>} : memref<128x128xf32, #tpu.memory_space<vmem>>, vector<1x16xf32>,
      %swap3A_338 = vector.shape_cast %swap3A_337 : vector<1x16xf32> to vector<16xf32>
      %swap3A_339 = vector.shape_cast %add3A_334 : vector<16xf32> to vector<1x16xf32>
      tpu.vector_store %arg7[%swap3A_335, %swap3A_336], %swap3A_339 {strides = array<i32>} : memref<128x128xf32, #tpu.memory_space<vmem>>, vector<1x16xf32>,
      %get3A_340 = arith.index_cast %scan3A_263 : i32 to index
      %get3A_341 = arith.constant 112 : index
      %get3A_342 = tpu.vector_load %arg5[%get3A_340, %get3A_341] {strides = array<i32>} : memref<128x128xf32, #tpu.memory_space<vmem>>, vector<1x16xf32>,
      %get3A_343 = vector.shape_cast %get3A_342 : vector<1x16xf32> to vector<16xf32>
      %add3A_344 = arith.addf %scan3A_271, %get3A_343 : vector<16xf32>
      %swap3A_345 = arith.index_cast %scan3A_263 : i32 to index
      %swap3A_346 = arith.constant 112 : index
      %swap3A_347 = tpu.vector_load %arg7[%swap3A_345, %swap3A_346] {strides = array<i32>} : memref<128x128xf32, #tpu.memory_space<vmem>>, vector<1x16xf32>,
      %swap3A_348 = vector.shape_cast %swap3A_347 : vector<1x16xf32> to vector<16xf32>
      %swap3A_349 = vector.shape_cast %add3A_344 : vector<16xf32> to vector<1x16xf32>
      tpu.vector_store %arg7[%swap3A_345, %swap3A_346], %swap3A_349 {strides = array<i32>} : memref<128x128xf32, #tpu.memory_space<vmem>>, vector<1x16xf32>,
      scf.yield %add3A_275, %add3A_284, %add3A_294, %add3A_304, %add3A_314, %add3A_324, %add3A_334, %add3A_344 : vector<16xf32>, vector<16xf32>, vector<16xf32>, vector<16xf32>, vector<16xf32>, vector<16xf32>, vector<16xf32>, vector<16xf32>
    }
    %scan3A_94 = arith.constant 128 : i32
    %dma_start3A_95 = arith.constant 384 : i32
    %dma_start3A_96 = tpu.memref_slice %arg2[%select_n3A, %dma_start3A_95, %mul3A_34] : memref<4x4096x2048xf32, #tpu.memory_space<hbm>> -> memref<1x128x128xf32, #tpu.memory_space<hbm>>
    %dma_start3A_97 = tpu.memref_squeeze %dma_start3A_96 : memref<1x128x128xf32, #tpu.memory_space<hbm>> -> memref<128x128xf32, #tpu.memory_space<hbm>>
    %dma_start3A_98 = arith.constant 384 : i32
    %dma_start3A_99 = tpu.memref_slice %arg2[%select_n3A, %dma_start3A_98, %mul3A_34] : memref<4x4096x2048xf32, #tpu.memory_space<hbm>> -> memref<1x128x128xf32, #tpu.memory_space<hbm>>
    %dma_start3A_100 = tpu.memref_squeeze %dma_start3A_99 : memref<1x128x128xf32, #tpu.memory_space<hbm>> -> memref<128x128xf32, #tpu.memory_space<hbm>>
    tpu.enqueue_dma source(%dma_start3A_100 : memref<128x128xf32, #tpu.memory_space<hbm>>) target(%arg5 : memref<128x128xf32, #tpu.memory_space<vmem>>) target_semaphore(%arg9 : memref<!tpu.dma_semaphore, #tpu.memory_space<semaphore_mem>>)
    %dma_start3A_101 = arith.constant 128 : i32
    %dma_start3A_102 = tpu.memref_slice %arg3[%select_n3A, %dma_start3A_101, %mul3A_34] : memref<4x4096x2048xf32, #tpu.memory_space<hbm>> -> memref<1x128x128xf32, #tpu.memory_space<hbm>>
    %dma_start3A_103 = tpu.memref_squeeze %dma_start3A_102 : memref<1x128x128xf32, #tpu.memory_space<hbm>> -> memref<128x128xf32, #tpu.memory_space<hbm>>
    %dma_start3A_104 = arith.constant 128 : i32
    %dma_start3A_105 = tpu.memref_slice %arg3[%select_n3A, %dma_start3A_104, %mul3A_34] : memref<4x4096x2048xf32, #tpu.memory_space<hbm>> -> memref<1x128x128xf32, #tpu.memory_space<hbm>>
    %dma_start3A_106 = tpu.memref_squeeze %dma_start3A_105 : memref<1x128x128xf32, #tpu.memory_space<hbm>> -> memref<128x128xf32, #tpu.memory_space<hbm>>
    tpu.enqueue_dma source(%arg7 : memref<128x128xf32, #tpu.memory_space<vmem>>) target(%dma_start3A_106 : memref<128x128xf32, #tpu.memory_space<hbm>>) target_semaphore(%arg11 : memref<!tpu.dma_semaphore, #tpu.memory_space<semaphore_mem>>)
    %scan3A_107 = arith.constant 1 : i32
    %scan3A_108 = arith.constant 15 : i32
    %scan3A_109 = arith.addi %scan3A_107, %scan3A_108 : i32
    %scan3A_110 = arith.constant 1 : i32
    %scan3A_111:8 = scf.for %scan3A_263 = %scan3A_107 to %scan3A_109 step %scan3A_110 iter_args(%scan3A_264 = %scan3A_93#0, %scan3A_265 = %scan3A_93#1, %scan3A_266 = %scan3A_93#2, %scan3A_267 = %scan3A_93#3, %scan3A_268 = %scan3A_93#4, %scan3A_269 = %scan3A_93#5, %scan3A_270 = %scan3A_93#6, %scan3A_271 = %scan3A_93#7) -> (vector<16xf32>, vector<16xf32>, vector<16xf32>, vector<16xf32>, vector<16xf32>, vector<16xf32>, vector<16xf32>, vector<16xf32>)  : i32 {
      %mul3A_272 = arith.constant 2 : i32
      %mul3A_273 = arith.muli %scan3A_263, %mul3A_272 : i32
      %add3A_274 = arith.constant 0 : i32
      %add3A_275 = arith.addi %mul3A_273, %add3A_274 : i32
      %mul3A_276 = arith.constant 128 : i32
      %mul3A_277 = arith.muli %add3A_275, %mul3A_276 : i32
      %dma_wait3A_278 = tpu.memref_slice %arg2[%select_n3A, %mul3A_277, %mul3A_34] : memref<4x4096x2048xf32, #tpu.memory_space<hbm>> -> memref<1x128x128xf32, #tpu.memory_space<hbm>>
      %dma_wait3A_279 = tpu.memref_squeeze %dma_wait3A_278 : memref<1x128x128xf32, #tpu.memory_space<hbm>> -> memref<128x128xf32, #tpu.memory_space<hbm>>
      %dma_wait3A_280 = tpu.memref_slice %arg2[%select_n3A, %mul3A_277, %mul3A_34] : memref<4x4096x2048xf32, #tpu.memory_space<hbm>> -> memref<1x128x128xf32, #tpu.memory_space<hbm>>
      %dma_wait3A_281 = tpu.memref_squeeze %dma_wait3A_280 : memref<1x128x128xf32, #tpu.memory_space<hbm>> -> memref<128x128xf32, #tpu.memory_space<hbm>>
      tpu.wait_dma2 semaphore(%arg8 : memref<!tpu.dma_semaphore, #tpu.memory_space<semaphore_mem>>) src(%dma_wait3A_281 : memref<128x128xf32, #tpu.memory_space<hbm>>) dst(%arg4 : memref<128x128xf32, #tpu.memory_space<vmem>>)
      %mul3A_282 = arith.constant 128 : i32
      %mul3A_283 = arith.muli %add3A_275, %mul3A_282 : i32
      %dma_wait3A_284 = tpu.memref_slice %arg3[%select_n3A, %mul3A_283, %mul3A_34] : memref<4x4096x2048xf32, #tpu.memory_space<hbm>> -> memref<1x128x128xf32, #tpu.memory_space<hbm>>
      %dma_wait3A_285 = tpu.memref_squeeze %dma_wait3A_284 : memref<1x128x128xf32, #tpu.memory_space<hbm>> -> memref<128x128xf32, #tpu.memory_space<hbm>>
      %dma_wait3A_286 = tpu.memref_slice %arg3[%select_n3A, %mul3A_283, %mul3A_34] : memref<4x4096x2048xf32, #tpu.memory_space<hbm>> -> memref<1x128x128xf32, #tpu.memory_space<hbm>>
      %dma_wait3A_287 = tpu.memref_squeeze %dma_wait3A_286 : memref<1x128x128xf32, #tpu.memory_space<hbm>> -> memref<128x128xf32, #tpu.memory_space<hbm>>
      tpu.wait_dma2 semaphore(%arg10 : memref<!tpu.dma_semaphore, #tpu.memory_space<semaphore_mem>>) src(%arg6 : memref<128x128xf32, #tpu.memory_space<vmem>>) dst(%dma_wait3A_287 : memref<128x128xf32, #tpu.memory_space<hbm>>)
      %scan3A_288 = arith.constant 0 : i32
      %scan3A_289 = arith.constant 128 : i32
      %scan3A_290 = arith.addi %scan3A_288, %scan3A_289 : i32
      %scan3A_291 = arith.constant 1 : i32
      %scan3A_292:8 = scf.for %scan3A_338 = %scan3A_288 to %scan3A_290 step %scan3A_291 iter_args(%scan3A_339 = %scan3A_264, %scan3A_340 = %scan3A_265, %scan3A_341 = %scan3A_266, %scan3A_342 = %scan3A_267, %scan3A_343 = %scan3A_268, %scan3A_344 = %scan3A_269, %scan3A_345 = %scan3A_270, %scan3A_346 = %scan3A_271) -> (vector<16xf32>, vector<16xf32>, vector<16xf32>, vector<16xf32>, vector<16xf32>, vector<16xf32>, vector<16xf32>, vector<16xf32>)  : i32 {
        %get3A = arith.index_cast %scan3A_338 : i32 to index
        %get3A_347 = arith.constant 0 : index
        %get3A_348 = tpu.vector_load %arg4[%get3A, %get3A_347] {strides = array<i32>} : memref<128x128xf32, #tpu.memory_space<vmem>>, vector<1x16xf32>,
        %get3A_349 = vector.shape_cast %get3A_348 : vector<1x16xf32> to vector<16xf32>
        %add3A_350 = arith.addf %scan3A_339, %get3A_349 : vector<16xf32>
        %swap3A = arith.index_cast %scan3A_338 : i32 to index
        %swap3A_351 = arith.constant 0 : index
        %swap3A_352 = tpu.vector_load %arg6[%swap3A, %swap3A_351] {strides = array<i32>} : memref<128x128xf32, #tpu.memory_space<vmem>>, vector<1x16xf32>,
        %swap3A_353 = vector.shape_cast %swap3A_352 : vector<1x16xf32> to vector<16xf32>
        %swap3A_354 = vector.shape_cast %add3A_350 : vector<16xf32> to vector<1x16xf32>
        tpu.vector_store %arg6[%swap3A, %swap3A_351], %swap3A_354 {strides = array<i32>} : memref<128x128xf32, #tpu.memory_space<vmem>>, vector<1x16xf32>,
        %get3A_355 = arith.index_cast %scan3A_338 : i32 to index
        %get3A_356 = arith.constant 16 : index
        %get3A_357 = tpu.vector_load %arg4[%get3A_355, %get3A_356] {strides = array<i32>} : memref<128x128xf32, #tpu.memory_space<vmem>>, vector<1x16xf32>,
        %get3A_358 = vector.shape_cast %get3A_357 : vector<1x16xf32> to vector<16xf32>
        %add3A_359 = arith.addf %scan3A_340, %get3A_358 : vector<16xf32>
        %swap3A_360 = arith.index_cast %scan3A_338 : i32 to index
        %swap3A_361 = arith.constant 16 : index
        %swap3A_362 = tpu.vector_load %arg6[%swap3A_360, %swap3A_361] {strides = array<i32>} : memref<128x128xf32, #tpu.memory_space<vmem>>, vector<1x16xf32>,
        %swap3A_363 = vector.shape_cast %swap3A_362 : vector<1x16xf32> to vector<16xf32>
        %swap3A_364 = vector.shape_cast %add3A_359 : vector<16xf32> to vector<1x16xf32>
        tpu.vector_store %arg6[%swap3A_360, %swap3A_361], %swap3A_364 {strides = array<i32>} : memref<128x128xf32, #tpu.memory_space<vmem>>, vector<1x16xf32>,
        %get3A_365 = arith.index_cast %scan3A_338 : i32 to index
        %get3A_366 = arith.constant 32 : index
        %get3A_367 = tpu.vector_load %arg4[%get3A_365, %get3A_366] {strides = array<i32>} : memref<128x128xf32, #tpu.memory_space<vmem>>, vector<1x16xf32>,
        %get3A_368 = vector.shape_cast %get3A_367 : vector<1x16xf32> to vector<16xf32>
        %add3A_369 = arith.addf %scan3A_341, %get3A_368 : vector<16xf32>
        %swap3A_370 = arith.index_cast %scan3A_338 : i32 to index
        %swap3A_371 = arith.constant 32 : index
        %swap3A_372 = tpu.vector_load %arg6[%swap3A_370, %swap3A_371] {strides = array<i32>} : memref<128x128xf32, #tpu.memory_space<vmem>>, vector<1x16xf32>,
        %swap3A_373 = vector.shape_cast %swap3A_372 : vector<1x16xf32> to vector<16xf32>
        %swap3A_374 = vector.shape_cast %add3A_369 : vector<16xf32> to vector<1x16xf32>
        tpu.vector_store %arg6[%swap3A_370, %swap3A_371], %swap3A_374 {strides = array<i32>} : memref<128x128xf32, #tpu.memory_space<vmem>>, vector<1x16xf32>,
        %get3A_375 = arith.index_cast %scan3A_338 : i32 to index
        %get3A_376 = arith.constant 48 : index
        %get3A_377 = tpu.vector_load %arg4[%get3A_375, %get3A_376] {strides = array<i32>} : memref<128x128xf32, #tpu.memory_space<vmem>>, vector<1x16xf32>,
        %get3A_378 = vector.shape_cast %get3A_377 : vector<1x16xf32> to vector<16xf32>
        %add3A_379 = arith.addf %scan3A_342, %get3A_378 : vector<16xf32>
        %swap3A_380 = arith.index_cast %scan3A_338 : i32 to index
        %swap3A_381 = arith.constant 48 : index
        %swap3A_382 = tpu.vector_load %arg6[%swap3A_380, %swap3A_381] {strides = array<i32>} : memref<128x128xf32, #tpu.memory_space<vmem>>, vector<1x16xf32>,
        %swap3A_383 = vector.shape_cast %swap3A_382 : vector<1x16xf32> to vector<16xf32>
        %swap3A_384 = vector.shape_cast %add3A_379 : vector<16xf32> to vector<1x16xf32>
        tpu.vector_store %arg6[%swap3A_380, %swap3A_381], %swap3A_384 {strides = array<i32>} : memref<128x128xf32, #tpu.memory_space<vmem>>, vector<1x16xf32>,
        %get3A_385 = arith.index_cast %scan3A_338 : i32 to index
        %get3A_386 = arith.constant 64 : index
        %get3A_387 = tpu.vector_load %arg4[%get3A_385, %get3A_386] {strides = array<i32>} : memref<128x128xf32, #tpu.memory_space<vmem>>, vector<1x16xf32>,
        %get3A_388 = vector.shape_cast %get3A_387 : vector<1x16xf32> to vector<16xf32>
        %add3A_389 = arith.addf %scan3A_343, %get3A_388 : vector<16xf32>
        %swap3A_390 = arith.index_cast %scan3A_338 : i32 to index
        %swap3A_391 = arith.constant 64 : index
        %swap3A_392 = tpu.vector_load %arg6[%swap3A_390, %swap3A_391] {strides = array<i32>} : memref<128x128xf32, #tpu.memory_space<vmem>>, vector<1x16xf32>,
        %swap3A_393 = vector.shape_cast %swap3A_392 : vector<1x16xf32> to vector<16xf32>
        %swap3A_394 = vector.shape_cast %add3A_389 : vector<16xf32> to vector<1x16xf32>
        tpu.vector_store %arg6[%swap3A_390, %swap3A_391], %swap3A_394 {strides = array<i32>} : memref<128x128xf32, #tpu.memory_space<vmem>>, vector<1x16xf32>,
        %get3A_395 = arith.index_cast %scan3A_338 : i32 to index
        %get3A_396 = arith.constant 80 : index
        %get3A_397 = tpu.vector_load %arg4[%get3A_395, %get3A_396] {strides = array<i32>} : memref<128x128xf32, #tpu.memory_space<vmem>>, vector<1x16xf32>,
        %get3A_398 = vector.shape_cast %get3A_397 : vector<1x16xf32> to vector<16xf32>
        %add3A_399 = arith.addf %scan3A_344, %get3A_398 : vector<16xf32>
        %swap3A_400 = arith.index_cast %scan3A_338 : i32 to index
        %swap3A_401 = arith.constant 80 : index
        %swap3A_402 = tpu.vector_load %arg6[%swap3A_400, %swap3A_401] {strides = array<i32>} : memref<128x128xf32, #tpu.memory_space<vmem>>, vector<1x16xf32>,
        %swap3A_403 = vector.shape_cast %swap3A_402 : vector<1x16xf32> to vector<16xf32>
        %swap3A_404 = vector.shape_cast %add3A_399 : vector<16xf32> to vector<1x16xf32>
        tpu.vector_store %arg6[%swap3A_400, %swap3A_401], %swap3A_404 {strides = array<i32>} : memref<128x128xf32, #tpu.memory_space<vmem>>, vector<1x16xf32>,
        %get3A_405 = arith.index_cast %scan3A_338 : i32 to index
        %get3A_406 = arith.constant 96 : index
        %get3A_407 = tpu.vector_load %arg4[%get3A_405, %get3A_406] {strides = array<i32>} : memref<128x128xf32, #tpu.memory_space<vmem>>, vector<1x16xf32>,
        %get3A_408 = vector.shape_cast %get3A_407 : vector<1x16xf32> to vector<16xf32>
        %add3A_409 = arith.addf %scan3A_345, %get3A_408 : vector<16xf32>
        %swap3A_410 = arith.index_cast %scan3A_338 : i32 to index
        %swap3A_411 = arith.constant 96 : index
        %swap3A_412 = tpu.vector_load %arg6[%swap3A_410, %swap3A_411] {strides = array<i32>} : memref<128x128xf32, #tpu.memory_space<vmem>>, vector<1x16xf32>,
        %swap3A_413 = vector.shape_cast %swap3A_412 : vector<1x16xf32> to vector<16xf32>
        %swap3A_414 = vector.shape_cast %add3A_409 : vector<16xf32> to vector<1x16xf32>
        tpu.vector_store %arg6[%swap3A_410, %swap3A_411], %swap3A_414 {strides = array<i32>} : memref<128x128xf32, #tpu.memory_space<vmem>>, vector<1x16xf32>,
        %get3A_415 = arith.index_cast %scan3A_338 : i32 to index
        %get3A_416 = arith.constant 112 : index
        %get3A_417 = tpu.vector_load %arg4[%get3A_415, %get3A_416] {strides = array<i32>} : memref<128x128xf32, #tpu.memory_space<vmem>>, vector<1x16xf32>,
        %get3A_418 = vector.shape_cast %get3A_417 : vector<1x16xf32> to vector<16xf32>
        %add3A_419 = arith.addf %scan3A_346, %get3A_418 : vector<16xf32>
        %swap3A_420 = arith.index_cast %scan3A_338 : i32 to index
        %swap3A_421 = arith.constant 112 : index
        %swap3A_422 = tpu.vector_load %arg6[%swap3A_420, %swap3A_421] {strides = array<i32>} : memref<128x128xf32, #tpu.memory_space<vmem>>, vector<1x16xf32>,
        %swap3A_423 = vector.shape_cast %swap3A_422 : vector<1x16xf32> to vector<16xf32>
        %swap3A_424 = vector.shape_cast %add3A_419 : vector<16xf32> to vector<1x16xf32>
        tpu.vector_store %arg6[%swap3A_420, %swap3A_421], %swap3A_424 {strides = array<i32>} : memref<128x128xf32, #tpu.memory_space<vmem>>, vector<1x16xf32>,
        scf.yield %add3A_350, %add3A_359, %add3A_369, %add3A_379, %add3A_389, %add3A_399, %add3A_409, %add3A_419 : vector<16xf32>, vector<16xf32>, vector<16xf32>, vector<16xf32>, vector<16xf32>, vector<16xf32>, vector<16xf32>, vector<16xf32>
      }
      %scan3A_293 = arith.constant 128 : i32
      %add3A_294 = arith.constant 2 : i32
      %add3A_295 = arith.addi %add3A_275, %add3A_294 : i32
      %lt3A_296 = arith.constant 32 : i32
      %lt3A_297 = arith.cmpi slt, %add3A_295, %lt3A_296 : i32
      %convert_element_type3A = arith.extui %lt3A_297 : i1 to i32
      %cond3A = arith.constant 0 : i32
      %cond3A_298 = arith.cmpi ne, %convert_element_type3A, %cond3A : i32
      scf.if %cond3A_298 {
        %add3A_338 = arith.constant 2 : i32
        %add3A_339 = arith.addi %add3A_275, %add3A_338 : i32
        %mul3A_340 = arith.constant 128 : i32
        %mul3A_341 = arith.muli %add3A_339, %mul3A_340 : i32
        %dma_start3A_342 = tpu.memref_slice %arg2[%select_n3A, %mul3A_341, %mul3A_34] : memref<4x4096x2048xf32, #tpu.memory_space<hbm>> -> memref<1x128x128xf32, #tpu.memory_space<hbm>>
        %dma_start3A_343 = tpu.memref_squeeze %dma_start3A_342 : memref<1x128x128xf32, #tpu.memory_space<hbm>> -> memref<128x128xf32, #tpu.memory_space<hbm>>
        %dma_start3A_344 = tpu.memref_slice %arg2[%select_n3A, %mul3A_341, %mul3A_34] : memref<4x4096x2048xf32, #tpu.memory_space<hbm>> -> memref<1x128x128xf32, #tpu.memory_space<hbm>>
        %dma_start3A_345 = tpu.memref_squeeze %dma_start3A_344 : memref<1x128x128xf32, #tpu.memory_space<hbm>> -> memref<128x128xf32, #tpu.memory_space<hbm>>
        tpu.enqueue_dma source(%dma_start3A_345 : memref<128x128xf32, #tpu.memory_space<hbm>>) target(%arg4 : memref<128x128xf32, #tpu.memory_space<vmem>>) target_semaphore(%arg8 : memref<!tpu.dma_semaphore, #tpu.memory_space<semaphore_mem>>)
      } else {
      }
      %mul3A_299 = arith.constant 128 : i32
      %mul3A_300 = arith.muli %add3A_275, %mul3A_299 : i32
      %dma_start3A_301 = tpu.memref_slice %arg3[%select_n3A, %mul3A_300, %mul3A_34] : memref<4x4096x2048xf32, #tpu.memory_space<hbm>> -> memref<1x128x128xf32, #tpu.memory_space<hbm>>
      %dma_start3A_302 = tpu.memref_squeeze %dma_start3A_301 : memref<1x128x128xf32, #tpu.memory_space<hbm>> -> memref<128x128xf32, #tpu.memory_space<hbm>>
      %dma_start3A_303 = tpu.memref_slice %arg3[%select_n3A, %mul3A_300, %mul3A_34] : memref<4x4096x2048xf32, #tpu.memory_space<hbm>> -> memref<1x128x128xf32, #tpu.memory_space<hbm>>
      %dma_start3A_304 = tpu.memref_squeeze %dma_start3A_303 : memref<1x128x128xf32, #tpu.memory_space<hbm>> -> memref<128x128xf32, #tpu.memory_space<hbm>>
      tpu.enqueue_dma source(%arg6 : memref<128x128xf32, #tpu.memory_space<vmem>>) target(%dma_start3A_304 : memref<128x128xf32, #tpu.memory_space<hbm>>) target_semaphore(%arg10 : memref<!tpu.dma_semaphore, #tpu.memory_space<semaphore_mem>>)
      %add3A_305 = arith.constant 1 : i32
      %add3A_306 = arith.addi %mul3A_273, %add3A_305 : i32
      %mul3A_307 = arith.constant 128 : i32
      %mul3A_308 = arith.muli %add3A_306, %mul3A_307 : i32
      %dma_wait3A_309 = tpu.memref_slice %arg2[%select_n3A, %mul3A_308, %mul3A_34] : memref<4x4096x2048xf32, #tpu.memory_space<hbm>> -> memref<1x128x128xf32, #tpu.memory_space<hbm>>
      %dma_wait3A_310 = tpu.memref_squeeze %dma_wait3A_309 : memref<1x128x128xf32, #tpu.memory_space<hbm>> -> memref<128x128xf32, #tpu.memory_space<hbm>>
      %dma_wait3A_311 = tpu.memref_slice %arg2[%select_n3A, %mul3A_308, %mul3A_34] : memref<4x4096x2048xf32, #tpu.memory_space<hbm>> -> memref<1x128x128xf32, #tpu.memory_space<hbm>>
      %dma_wait3A_312 = tpu.memref_squeeze %dma_wait3A_311 : memref<1x128x128xf32, #tpu.memory_space<hbm>> -> memref<128x128xf32, #tpu.memory_space<hbm>>
      tpu.wait_dma2 semaphore(%arg9 : memref<!tpu.dma_semaphore, #tpu.memory_space<semaphore_mem>>) src(%dma_wait3A_312 : memref<128x128xf32, #tpu.memory_space<hbm>>) dst(%arg5 : memref<128x128xf32, #tpu.memory_space<vmem>>)
      %mul3A_313 = arith.constant 128 : i32
      %mul3A_314 = arith.muli %add3A_306, %mul3A_313 : i32
      %dma_wait3A_315 = tpu.memref_slice %arg3[%select_n3A, %mul3A_314, %mul3A_34] : memref<4x4096x2048xf32, #tpu.memory_space<hbm>> -> memref<1x128x128xf32, #tpu.memory_space<hbm>>
      %dma_wait3A_316 = tpu.memref_squeeze %dma_wait3A_315 : memref<1x128x128xf32, #tpu.memory_space<hbm>> -> memref<128x128xf32, #tpu.memory_space<hbm>>
      %dma_wait3A_317 = tpu.memref_slice %arg3[%select_n3A, %mul3A_314, %mul3A_34] : memref<4x4096x2048xf32, #tpu.memory_space<hbm>> -> memref<1x128x128xf32, #tpu.memory_space<hbm>>
      %dma_wait3A_318 = tpu.memref_squeeze %dma_wait3A_317 : memref<1x128x128xf32, #tpu.memory_space<hbm>> -> memref<128x128xf32, #tpu.memory_space<hbm>>
      tpu.wait_dma2 semaphore(%arg11 : memref<!tpu.dma_semaphore, #tpu.memory_space<semaphore_mem>>) src(%arg7 : memref<128x128xf32, #tpu.memory_space<vmem>>) dst(%dma_wait3A_318 : memref<128x128xf32, #tpu.memory_space<hbm>>)
      %scan3A_319 = arith.constant 0 : i32
      %scan3A_320 = arith.constant 128 : i32
      %scan3A_321 = arith.addi %scan3A_319, %scan3A_320 : i32
      %scan3A_322 = arith.constant 1 : i32
      %scan3A_323:8 = scf.for %scan3A_338 = %scan3A_319 to %scan3A_321 step %scan3A_322 iter_args(%scan3A_339 = %scan3A_292#0, %scan3A_340 = %scan3A_292#1, %scan3A_341 = %scan3A_292#2, %scan3A_342 = %scan3A_292#3, %scan3A_343 = %scan3A_292#4, %scan3A_344 = %scan3A_292#5, %scan3A_345 = %scan3A_292#6, %scan3A_346 = %scan3A_292#7) -> (vector<16xf32>, vector<16xf32>, vector<16xf32>, vector<16xf32>, vector<16xf32>, vector<16xf32>, vector<16xf32>, vector<16xf32>)  : i32 {
        %get3A = arith.index_cast %scan3A_338 : i32 to index
        %get3A_347 = arith.constant 0 : index
        %get3A_348 = tpu.vector_load %arg5[%get3A, %get3A_347] {strides = array<i32>} : memref<128x128xf32, #tpu.memory_space<vmem>>, vector<1x16xf32>,
        %get3A_349 = vector.shape_cast %get3A_348 : vector<1x16xf32> to vector<16xf32>
        %add3A_350 = arith.addf %scan3A_339, %get3A_349 : vector<16xf32>
        %swap3A = arith.index_cast %scan3A_338 : i32 to index
        %swap3A_351 = arith.constant 0 : index
        %swap3A_352 = tpu.vector_load %arg7[%swap3A, %swap3A_351] {strides = array<i32>} : memref<128x128xf32, #tpu.memory_space<vmem>>, vector<1x16xf32>,
        %swap3A_353 = vector.shape_cast %swap3A_352 : vector<1x16xf32> to vector<16xf32>
        %swap3A_354 = vector.shape_cast %add3A_350 : vector<16xf32> to vector<1x16xf32>
        tpu.vector_store %arg7[%swap3A, %swap3A_351], %swap3A_354 {strides = array<i32>} : memref<128x128xf32, #tpu.memory_space<vmem>>, vector<1x16xf32>,
        %get3A_355 = arith.index_cast %scan3A_338 : i32 to index
        %get3A_356 = arith.constant 16 : index
        %get3A_357 = tpu.vector_load %arg5[%get3A_355, %get3A_356] {strides = array<i32>} : memref<128x128xf32, #tpu.memory_space<vmem>>, vector<1x16xf32>,
        %get3A_358 = vector.shape_cast %get3A_357 : vector<1x16xf32> to vector<16xf32>
        %add3A_359 = arith.addf %scan3A_340, %get3A_358 : vector<16xf32>
        %swap3A_360 = arith.index_cast %scan3A_338 : i32 to index
        %swap3A_361 = arith.constant 16 : index
        %swap3A_362 = tpu.vector_load %arg7[%swap3A_360, %swap3A_361] {strides = array<i32>} : memref<128x128xf32, #tpu.memory_space<vmem>>, vector<1x16xf32>,
        %swap3A_363 = vector.shape_cast %swap3A_362 : vector<1x16xf32> to vector<16xf32>
        %swap3A_364 = vector.shape_cast %add3A_359 : vector<16xf32> to vector<1x16xf32>
        tpu.vector_store %arg7[%swap3A_360, %swap3A_361], %swap3A_364 {strides = array<i32>} : memref<128x128xf32, #tpu.memory_space<vmem>>, vector<1x16xf32>,
        %get3A_365 = arith.index_cast %scan3A_338 : i32 to index
        %get3A_366 = arith.constant 32 : index
        %get3A_367 = tpu.vector_load %arg5[%get3A_365, %get3A_366] {strides = array<i32>} : memref<128x128xf32, #tpu.memory_space<vmem>>, vector<1x16xf32>,
        %get3A_368 = vector.shape_cast %get3A_367 : vector<1x16xf32> to vector<16xf32>
        %add3A_369 = arith.addf %scan3A_341, %get3A_368 : vector<16xf32>
        %swap3A_370 = arith.index_cast %scan3A_338 : i32 to index
        %swap3A_371 = arith.constant 32 : index
        %swap3A_372 = tpu.vector_load %arg7[%swap3A_370, %swap3A_371] {strides = array<i32>} : memref<128x128xf32, #tpu.memory_space<vmem>>, vector<1x16xf32>,
        %swap3A_373 = vector.shape_cast %swap3A_372 : vector<1x16xf32> to vector<16xf32>
        %swap3A_374 = vector.shape_cast %add3A_369 : vector<16xf32> to vector<1x16xf32>
        tpu.vector_store %arg7[%swap3A_370, %swap3A_371], %swap3A_374 {strides = array<i32>} : memref<128x128xf32, #tpu.memory_space<vmem>>, vector<1x16xf32>,
        %get3A_375 = arith.index_cast %scan3A_338 : i32 to index
        %get3A_376 = arith.constant 48 : index
        %get3A_377 = tpu.vector_load %arg5[%get3A_375, %get3A_376] {strides = array<i32>} : memref<128x128xf32, #tpu.memory_space<vmem>>, vector<1x16xf32>,
        %get3A_378 = vector.shape_cast %get3A_377 : vector<1x16xf32> to vector<16xf32>
        %add3A_379 = arith.addf %scan3A_342, %get3A_378 : vector<16xf32>
        %swap3A_380 = arith.index_cast %scan3A_338 : i32 to index
        %swap3A_381 = arith.constant 48 : index
        %swap3A_382 = tpu.vector_load %arg7[%swap3A_380, %swap3A_381] {strides = array<i32>} : memref<128x128xf32, #tpu.memory_space<vmem>>, vector<1x16xf32>,
        %swap3A_383 = vector.shape_cast %swap3A_382 : vector<1x16xf32> to vector<16xf32>
        %swap3A_384 = vector.shape_cast %add3A_379 : vector<16xf32> to vector<1x16xf32>
        tpu.vector_store %arg7[%swap3A_380, %swap3A_381], %swap3A_384 {strides = array<i32>} : memref<128x128xf32, #tpu.memory_space<vmem>>, vector<1x16xf32>,
        %get3A_385 = arith.index_cast %scan3A_338 : i32 to index
        %get3A_386 = arith.constant 64 : index
        %get3A_387 = tpu.vector_load %arg5[%get3A_385, %get3A_386] {strides = array<i32>} : memref<128x128xf32, #tpu.memory_space<vmem>>, vector<1x16xf32>,
        %get3A_388 = vector.shape_cast %get3A_387 : vector<1x16xf32> to vector<16xf32>
        %add3A_389 = arith.addf %scan3A_343, %get3A_388 : vector<16xf32>
        %swap3A_390 = arith.index_cast %scan3A_338 : i32 to index
        %swap3A_391 = arith.constant 64 : index
        %swap3A_392 = tpu.vector_load %arg7[%swap3A_390, %swap3A_391] {strides = array<i32>} : memref<128x128xf32, #tpu.memory_space<vmem>>, vector<1x16xf32>,
        %swap3A_393 = vector.shape_cast %swap3A_392 : vector<1x16xf32> to vector<16xf32>
        %swap3A_394 = vector.shape_cast %add3A_389 : vector<16xf32> to vector<1x16xf32>
        tpu.vector_store %arg7[%swap3A_390, %swap3A_391], %swap3A_394 {strides = array<i32>} : memref<128x128xf32, #tpu.memory_space<vmem>>, vector<1x16xf32>,
        %get3A_395 = arith.index_cast %scan3A_338 : i32 to index
        %get3A_396 = arith.constant 80 : index
        %get3A_397 = tpu.vector_load %arg5[%get3A_395, %get3A_396] {strides = array<i32>} : memref<128x128xf32, #tpu.memory_space<vmem>>, vector<1x16xf32>,
        %get3A_398 = vector.shape_cast %get3A_397 : vector<1x16xf32> to vector<16xf32>
        %add3A_399 = arith.addf %scan3A_344, %get3A_398 : vector<16xf32>
        %swap3A_400 = arith.index_cast %scan3A_338 : i32 to index
        %swap3A_401 = arith.constant 80 : index
        %swap3A_402 = tpu.vector_load %arg7[%swap3A_400, %swap3A_401] {strides = array<i32>} : memref<128x128xf32, #tpu.memory_space<vmem>>, vector<1x16xf32>,
        %swap3A_403 = vector.shape_cast %swap3A_402 : vector<1x16xf32> to vector<16xf32>
        %swap3A_404 = vector.shape_cast %add3A_399 : vector<16xf32> to vector<1x16xf32>
        tpu.vector_store %arg7[%swap3A_400, %swap3A_401], %swap3A_404 {strides = array<i32>} : memref<128x128xf32, #tpu.memory_space<vmem>>, vector<1x16xf32>,
        %get3A_405 = arith.index_cast %scan3A_338 : i32 to index
        %get3A_406 = arith.constant 96 : index
        %get3A_407 = tpu.vector_load %arg5[%get3A_405, %get3A_406] {strides = array<i32>} : memref<128x128xf32, #tpu.memory_space<vmem>>, vector<1x16xf32>,
        %get3A_408 = vector.shape_cast %get3A_407 : vector<1x16xf32> to vector<16xf32>
        %add3A_409 = arith.addf %scan3A_345, %get3A_408 : vector<16xf32>
        %swap3A_410 = arith.index_cast %scan3A_338 : i32 to index
        %swap3A_411 = arith.constant 96 : index
        %swap3A_412 = tpu.vector_load %arg7[%swap3A_410, %swap3A_411] {strides = array<i32>} : memref<128x128xf32, #tpu.memory_space<vmem>>, vector<1x16xf32>,
        %swap3A_413 = vector.shape_cast %swap3A_412 : vector<1x16xf32> to vector<16xf32>
        %swap3A_414 = vector.shape_cast %add3A_409 : vector<16xf32> to vector<1x16xf32>
        tpu.vector_store %arg7[%swap3A_410, %swap3A_411], %swap3A_414 {strides = array<i32>} : memref<128x128xf32, #tpu.memory_space<vmem>>, vector<1x16xf32>,
        %get3A_415 = arith.index_cast %scan3A_338 : i32 to index
        %get3A_416 = arith.constant 112 : index
        %get3A_417 = tpu.vector_load %arg5[%get3A_415, %get3A_416] {strides = array<i32>} : memref<128x128xf32, #tpu.memory_space<vmem>>, vector<1x16xf32>,
        %get3A_418 = vector.shape_cast %get3A_417 : vector<1x16xf32> to vector<16xf32>
        %add3A_419 = arith.addf %scan3A_346, %get3A_418 : vector<16xf32>
        %swap3A_420 = arith.index_cast %scan3A_338 : i32 to index
        %swap3A_421 = arith.constant 112 : index
        %swap3A_422 = tpu.vector_load %arg7[%swap3A_420, %swap3A_421] {strides = array<i32>} : memref<128x128xf32, #tpu.memory_space<vmem>>, vector<1x16xf32>,
        %swap3A_423 = vector.shape_cast %swap3A_422 : vector<1x16xf32> to vector<16xf32>
        %swap3A_424 = vector.shape_cast %add3A_419 : vector<16xf32> to vector<1x16xf32>
        tpu.vector_store %arg7[%swap3A_420, %swap3A_421], %swap3A_424 {strides = array<i32>} : memref<128x128xf32, #tpu.memory_space<vmem>>, vector<1x16xf32>,
        scf.yield %add3A_350, %add3A_359, %add3A_369, %add3A_379, %add3A_389, %add3A_399, %add3A_409, %add3A_419 : vector<16xf32>, vector<16xf32>, vector<16xf32>, vector<16xf32>, vector<16xf32>, vector<16xf32>, vector<16xf32>, vector<16xf32>
      }
      %scan3A_324 = arith.constant 128 : i32
      %add3A_325 = arith.constant 2 : i32
      %add3A_326 = arith.addi %add3A_306, %add3A_325 : i32
      %lt3A_327 = arith.constant 32 : i32
      %lt3A_328 = arith.cmpi slt, %add3A_326, %lt3A_327 : i32
      %convert_element_type3A_329 = arith.extui %lt3A_328 : i1 to i32
      %cond3A_330 = arith.constant 0 : i32
      %cond3A_331 = arith.cmpi ne, %convert_element_type3A_329, %cond3A_330 : i32
      scf.if %cond3A_331 {
        %add3A_338 = arith.constant 2 : i32
        %add3A_339 = arith.addi %add3A_306, %add3A_338 : i32
        %mul3A_340 = arith.constant 128 : i32
        %mul3A_341 = arith.muli %add3A_339, %mul3A_340 : i32
        %dma_start3A_342 = tpu.memref_slice %arg2[%select_n3A, %mul3A_341, %mul3A_34] : memref<4x4096x2048xf32, #tpu.memory_space<hbm>> -> memref<1x128x128xf32, #tpu.memory_space<hbm>>
        %dma_start3A_343 = tpu.memref_squeeze %dma_start3A_342 : memref<1x128x128xf32, #tpu.memory_space<hbm>> -> memref<128x128xf32, #tpu.memory_space<hbm>>
        %dma_start3A_344 = tpu.memref_slice %arg2[%select_n3A, %mul3A_341, %mul3A_34] : memref<4x4096x2048xf32, #tpu.memory_space<hbm>> -> memref<1x128x128xf32, #tpu.memory_space<hbm>>
        %dma_start3A_345 = tpu.memref_squeeze %dma_start3A_344 : memref<1x128x128xf32, #tpu.memory_space<hbm>> -> memref<128x128xf32, #tpu.memory_space<hbm>>
        tpu.enqueue_dma source(%dma_start3A_345 : memref<128x128xf32, #tpu.memory_space<hbm>>) target(%arg5 : memref<128x128xf32, #tpu.memory_space<vmem>>) target_semaphore(%arg9 : memref<!tpu.dma_semaphore, #tpu.memory_space<semaphore_mem>>)
      } else {
      }
      %mul3A_332 = arith.constant 128 : i32
      %mul3A_333 = arith.muli %add3A_306, %mul3A_332 : i32
      %dma_start3A_334 = tpu.memref_slice %arg3[%select_n3A, %mul3A_333, %mul3A_34] : memref<4x4096x2048xf32, #tpu.memory_space<hbm>> -> memref<1x128x128xf32, #tpu.memory_space<hbm>>
      %dma_start3A_335 = tpu.memref_squeeze %dma_start3A_334 : memref<1x128x128xf32, #tpu.memory_space<hbm>> -> memref<128x128xf32, #tpu.memory_space<hbm>>
      %dma_start3A_336 = tpu.memref_slice %arg3[%select_n3A, %mul3A_333, %mul3A_34] : memref<4x4096x2048xf32, #tpu.memory_space<hbm>> -> memref<1x128x128xf32, #tpu.memory_space<hbm>>
      %dma_start3A_337 = tpu.memref_squeeze %dma_start3A_336 : memref<1x128x128xf32, #tpu.memory_space<hbm>> -> memref<128x128xf32, #tpu.memory_space<hbm>>
      tpu.enqueue_dma source(%arg7 : memref<128x128xf32, #tpu.memory_space<vmem>>) target(%dma_start3A_337 : memref<128x128xf32, #tpu.memory_space<hbm>>) target_semaphore(%arg11 : memref<!tpu.dma_semaphore, #tpu.memory_space<semaphore_mem>>)
      scf.yield %scan3A_323#0, %scan3A_323#1, %scan3A_323#2, %scan3A_323#3, %scan3A_323#4, %scan3A_323#5, %scan3A_323#6, %scan3A_323#7 : vector<16xf32>, vector<16xf32>, vector<16xf32>, vector<16xf32>, vector<16xf32>, vector<16xf32>, vector<16xf32>, vector<16xf32>
    }
    %scan3A_112 = arith.constant 15 : i32
    %dma_wait3A_113 = arith.constant 3840 : i32
    %dma_wait3A_114 = tpu.memref_slice %arg3[%select_n3A, %dma_wait3A_113, %mul3A_34] : memref<4x4096x2048xf32, #tpu.memory_space<hbm>> -> memref<1x128x128xf32, #tpu.memory_space<hbm>>
    %dma_wait3A_115 = tpu.memref_squeeze %dma_wait3A_114 : memref<1x128x128xf32, #tpu.memory_space<hbm>> -> memref<128x128xf32, #tpu.memory_space<hbm>>
    %dma_wait3A_116 = arith.constant 3840 : i32
    %dma_wait3A_117 = tpu.memref_slice %arg3[%select_n3A, %dma_wait3A_116, %mul3A_34] : memref<4x4096x2048xf32, #tpu.memory_space<hbm>> -> memref<1x128x128xf32, #tpu.memory_space<hbm>>
    %dma_wait3A_118 = tpu.memref_squeeze %dma_wait3A_117 : memref<1x128x128xf32, #tpu.memory_space<hbm>> -> memref<128x128xf32, #tpu.memory_space<hbm>>
    tpu.wait_dma2 semaphore(%arg10 : memref<!tpu.dma_semaphore, #tpu.memory_space<semaphore_mem>>) src(%arg6 : memref<128x128xf32, #tpu.memory_space<vmem>>) dst(%dma_wait3A_118 : memref<128x128xf32, #tpu.memory_space<hbm>>)
    %dma_wait3A_119 = arith.constant 3968 : i32
    %dma_wait3A_120 = tpu.memref_slice %arg3[%select_n3A, %dma_wait3A_119, %mul3A_34] : memref<4x4096x2048xf32, #tpu.memory_space<hbm>> -> memref<1x128x128xf32, #tpu.memory_space<hbm>>
    %dma_wait3A_121 = tpu.memref_squeeze %dma_wait3A_120 : memref<1x128x128xf32, #tpu.memory_space<hbm>> -> memref<128x128xf32, #tpu.memory_space<hbm>>
    %dma_wait3A_122 = arith.constant 3968 : i32
    %dma_wait3A_123 = tpu.memref_slice %arg3[%select_n3A, %dma_wait3A_122, %mul3A_34] : memref<4x4096x2048xf32, #tpu.memory_space<hbm>> -> memref<1x128x128xf32, #tpu.memory_space<hbm>>
    %dma_wait3A_124 = tpu.memref_squeeze %dma_wait3A_123 : memref<1x128x128xf32, #tpu.memory_space<hbm>> -> memref<128x128xf32, #tpu.memory_space<hbm>>
    tpu.wait_dma2 semaphore(%arg11 : memref<!tpu.dma_semaphore, #tpu.memory_space<semaphore_mem>>) src(%arg7 : memref<128x128xf32, #tpu.memory_space<vmem>>) dst(%dma_wait3A_124 : memref<128x128xf32, #tpu.memory_space<hbm>>)
    %add3A_125 = arith.constant 32 : i32
    %add3A_126 = arith.addi %add3A_125, %add3A : i32
    %jit3A_127 = arith.constant 16 : i32
    %div3A_128 = arith.divsi %add3A_126, %jit3A_127 : i32
    %sign3A_129 = arith.constant 0 : i32
    %sign3A_130 = arith.cmpi sgt, %add3A_126, %sign3A_129 : i32
    %sign3A_131 = arith.extui %sign3A_130 : i1 to i32
    %sign3A_132 = arith.constant 0 : i32
    %sign3A_133 = arith.cmpi slt, %add3A_126, %sign3A_132 : i32
    %sign3A_134 = arith.extui %sign3A_133 : i1 to i32
    %sign3A_135 = arith.subi %sign3A_131, %sign3A_134 : i32
    %sign3A_136 = arith.constant 0 : i32
    %sign3A_137 = arith.cmpi sgt, %jit3A_127, %sign3A_136 : i32
    %sign3A_138 = arith.extui %sign3A_137 : i1 to i32
    %sign3A_139 = arith.constant 0 : i32
    %sign3A_140 = arith.cmpi slt, %jit3A_127, %sign3A_139 : i32
    %sign3A_141 = arith.extui %sign3A_140 : i1 to i32
    %sign3A_142 = arith.subi %sign3A_138, %sign3A_141 : i32
    %ne3A_143 = arith.cmpi ne, %sign3A_135, %sign3A_142 : i32
    %rem3A_144 = arith.remsi %add3A_126, %jit3A_127 : i32
    %ne3A_145 = arith.constant 0 : i32
    %ne3A_146 = arith.cmpi ne, %rem3A_144, %ne3A_145 : i32
    %and3A_147 = arith.andi %ne3A_143, %ne3A_146 : i1
    %sub3A_148 = arith.constant 1 : i32
    %sub3A_149 = arith.subi %div3A_128, %sub3A_148 : i32
    %select_n3A_150 = arith.select %and3A_147, %sub3A_149, %div3A_128 : i32
    %jit3A_151 = arith.constant 16 : i32
    %eq3A_152 = arith.constant 0 : i32
    %eq3A_153 = arith.cmpi eq, %jit3A_151, %eq3A_152 : i32
    %jit3A_154 = arith.constant 1 : i32
    %select_n3A_155 = arith.select %eq3A_153, %jit3A_154, %jit3A_151 : i32
    %rem3A_156 = arith.remsi %add3A_126, %select_n3A_155 : i32
    %ne3A_157 = arith.constant 0 : i32
    %ne3A_158 = arith.cmpi ne, %rem3A_156, %ne3A_157 : i32
    %lt3A_159 = arith.constant 0 : i32
    %lt3A_160 = arith.cmpi slt, %rem3A_156, %lt3A_159 : i32
    %lt3A_161 = arith.constant 0 : i32
    %lt3A_162 = arith.cmpi slt, %select_n3A_155, %lt3A_161 : i32
    %ne3A_163 = arith.xori %lt3A_160, %lt3A_162 : i1
    %and3A_164 = arith.andi %ne3A_163, %ne3A_158 : i1
    %add3A_165 = arith.addi %rem3A_156, %select_n3A_155 : i32
    %select_n3A_166 = arith.select %and3A_164, %add3A_165, %rem3A_156 : i32
    %mul3A_167 = arith.constant 128 : i32
    %mul3A_168 = arith.muli %select_n3A_166, %mul3A_167 : i32
    %dma_start3A_169 = arith.constant 0 : i32
    %dma_start3A_170 = tpu.memref_slice %arg2[%select_n3A_150, %dma_start3A_169, %mul3A_168] : memref<4x4096x2048xf32, #tpu.memory_space<hbm>> -> memref<1x128x128xf32, #tpu.memory_space<hbm>>
    %dma_start3A_171 = tpu.memref_squeeze %dma_start3A_170 : memref<1x128x128xf32, #tpu.memory_space<hbm>> -> memref<128x128xf32, #tpu.memory_space<hbm>>
    %dma_start3A_172 = arith.constant 0 : i32
    %dma_start3A_173 = tpu.memref_slice %arg2[%select_n3A_150, %dma_start3A_172, %mul3A_168] : memref<4x4096x2048xf32, #tpu.memory_space<hbm>> -> memref<1x128x128xf32, #tpu.memory_space<hbm>>
    %dma_start3A_174 = tpu.memref_squeeze %dma_start3A_173 : memref<1x128x128xf32, #tpu.memory_space<hbm>> -> memref<128x128xf32, #tpu.memory_space<hbm>>
    tpu.enqueue_dma source(%dma_start3A_174 : memref<128x128xf32, #tpu.memory_space<hbm>>) target(%arg4 : memref<128x128xf32, #tpu.memory_space<vmem>>) target_semaphore(%arg8 : memref<!tpu.dma_semaphore, #tpu.memory_space<semaphore_mem>>)
    %dma_start3A_175 = arith.constant 128 : i32
    %dma_start3A_176 = tpu.memref_slice %arg2[%select_n3A_150, %dma_start3A_175, %mul3A_168] : memref<4x4096x2048xf32, #tpu.memory_space<hbm>> -> memref<1x128x128xf32, #tpu.memory_space<hbm>>
    %dma_start3A_177 = tpu.memref_squeeze %dma_start3A_176 : memref<1x128x128xf32, #tpu.memory_space<hbm>> -> memref<128x128xf32, #tpu.memory_space<hbm>>
    %dma_start3A_178 = arith.constant 128 : i32
    %dma_start3A_179 = tpu.memref_slice %arg2[%select_n3A_150, %dma_start3A_178, %mul3A_168] : memref<4x4096x2048xf32, #tpu.memory_space<hbm>> -> memref<1x128x128xf32, #tpu.memory_space<hbm>>
    %dma_start3A_180 = tpu.memref_squeeze %dma_start3A_179 : memref<1x128x128xf32, #tpu.memory_space<hbm>> -> memref<128x128xf32, #tpu.memory_space<hbm>>
    tpu.enqueue_dma source(%dma_start3A_180 : memref<128x128xf32, #tpu.memory_space<hbm>>) target(%arg5 : memref<128x128xf32, #tpu.memory_space<vmem>>) target_semaphore(%arg9 : memref<!tpu.dma_semaphore, #tpu.memory_space<semaphore_mem>>)
    %broadcast_in_dim3A_181 = arith.constant 0.000000e+00 : f32
    %broadcast_in_dim3A_182 = vector.broadcast %broadcast_in_dim3A_181 : f32 to vector<16xf32>
    %broadcast_in_dim3A_183 = arith.constant 0.000000e+00 : f32
    %broadcast_in_dim3A_184 = vector.broadcast %broadcast_in_dim3A_183 : f32 to vector<16xf32>
    %broadcast_in_dim3A_185 = arith.constant 0.000000e+00 : f32
    %broadcast_in_dim3A_186 = vector.broadcast %broadcast_in_dim3A_185 : f32 to vector<16xf32>
    %broadcast_in_dim3A_187 = arith.constant 0.000000e+00 : f32
    %broadcast_in_dim3A_188 = vector.broadcast %broadcast_in_dim3A_187 : f32 to vector<16xf32>
    %broadcast_in_dim3A_189 = arith.constant 0.000000e+00 : f32
    %broadcast_in_dim3A_190 = vector.broadcast %broadcast_in_dim3A_189 : f32 to vector<16xf32>
    %broadcast_in_dim3A_191 = arith.constant 0.000000e+00 : f32
    %broadcast_in_dim3A_192 = vector.broadcast %broadcast_in_dim3A_191 : f32 to vector<16xf32>
    %broadcast_in_dim3A_193 = arith.constant 0.000000e+00 : f32
    %broadcast_in_dim3A_194 = vector.broadcast %broadcast_in_dim3A_193 : f32 to vector<16xf32>
    %broadcast_in_dim3A_195 = arith.constant 0.000000e+00 : f32
    %broadcast_in_dim3A_196 = vector.broadcast %broadcast_in_dim3A_195 : f32 to vector<16xf32>
    %dma_wait3A_197 = arith.constant 0 : i32
    %dma_wait3A_198 = tpu.memref_slice %arg2[%select_n3A_150, %dma_wait3A_197, %mul3A_168] : memref<4x4096x2048xf32, #tpu.memory_space<hbm>> -> memref<1x128x128xf32, #tpu.memory_space<hbm>>
    %dma_wait3A_199 = tpu.memref_squeeze %dma_wait3A_198 : memref<1x128x128xf32, #tpu.memory_space<hbm>> -> memref<128x128xf32, #tpu.memory_space<hbm>>
    %dma_wait3A_200 = arith.constant 0 : i32
    %dma_wait3A_201 = tpu.memref_slice %arg2[%select_n3A_150, %dma_wait3A_200, %mul3A_168] : memref<4x4096x2048xf32, #tpu.memory_space<hbm>> -> memref<1x128x128xf32, #tpu.memory_space<hbm>>
    %dma_wait3A_202 = tpu.memref_squeeze %dma_wait3A_201 : memref<1x128x128xf32, #tpu.memory_space<hbm>> -> memref<128x128xf32, #tpu.memory_space<hbm>>
    tpu.wait_dma2 semaphore(%arg8 : memref<!tpu.dma_semaphore, #tpu.memory_space<semaphore_mem>>) src(%dma_wait3A_202 : memref<128x128xf32, #tpu.memory_space<hbm>>) dst(%arg4 : memref<128x128xf32, #tpu.memory_space<vmem>>)
    %scan3A_203 = arith.constant 0 : i32
    %scan3A_204 = arith.constant 128 : i32
    %scan3A_205 = arith.addi %scan3A_203, %scan3A_204 : i32
    %scan3A_206 = arith.constant 1 : i32
    %scan3A_207:8 = scf.for %scan3A_263 = %scan3A_203 to %scan3A_205 step %scan3A_206 iter_args(%scan3A_264 = %broadcast_in_dim3A_182, %scan3A_265 = %broadcast_in_dim3A_184, %scan3A_266 = %broadcast_in_dim3A_186, %scan3A_267 = %broadcast_in_dim3A_188, %scan3A_268 = %broadcast_in_dim3A_190, %scan3A_269 = %broadcast_in_dim3A_192, %scan3A_270 = %broadcast_in_dim3A_194, %scan3A_271 = %broadcast_in_dim3A_196) -> (vector<16xf32>, vector<16xf32>, vector<16xf32>, vector<16xf32>, vector<16xf32>, vector<16xf32>, vector<16xf32>, vector<16xf32>)  : i32 {
      %get3A = arith.index_cast %scan3A_263 : i32 to index
      %get3A_272 = arith.constant 0 : index
      %get3A_273 = tpu.vector_load %arg4[%get3A, %get3A_272] {strides = array<i32>} : memref<128x128xf32, #tpu.memory_space<vmem>>, vector<1x16xf32>,
      %get3A_274 = vector.shape_cast %get3A_273 : vector<1x16xf32> to vector<16xf32>
      %add3A_275 = arith.addf %scan3A_264, %get3A_274 : vector<16xf32>
      %swap3A = arith.index_cast %scan3A_263 : i32 to index
      %swap3A_276 = arith.constant 0 : index
      %swap3A_277 = tpu.vector_load %arg6[%swap3A, %swap3A_276] {strides = array<i32>} : memref<128x128xf32, #tpu.memory_space<vmem>>, vector<1x16xf32>,
      %swap3A_278 = vector.shape_cast %swap3A_277 : vector<1x16xf32> to vector<16xf32>
      %swap3A_279 = vector.shape_cast %add3A_275 : vector<16xf32> to vector<1x16xf32>
      tpu.vector_store %arg6[%swap3A, %swap3A_276], %swap3A_279 {strides = array<i32>} : memref<128x128xf32, #tpu.memory_space<vmem>>, vector<1x16xf32>,
      %get3A_280 = arith.index_cast %scan3A_263 : i32 to index
      %get3A_281 = arith.constant 16 : index
      %get3A_282 = tpu.vector_load %arg4[%get3A_280, %get3A_281] {strides = array<i32>} : memref<128x128xf32, #tpu.memory_space<vmem>>, vector<1x16xf32>,
      %get3A_283 = vector.shape_cast %get3A_282 : vector<1x16xf32> to vector<16xf32>
      %add3A_284 = arith.addf %scan3A_265, %get3A_283 : vector<16xf32>
      %swap3A_285 = arith.index_cast %scan3A_263 : i32 to index
      %swap3A_286 = arith.constant 16 : index
      %swap3A_287 = tpu.vector_load %arg6[%swap3A_285, %swap3A_286] {strides = array<i32>} : memref<128x128xf32, #tpu.memory_space<vmem>>, vector<1x16xf32>,
      %swap3A_288 = vector.shape_cast %swap3A_287 : vector<1x16xf32> to vector<16xf32>
      %swap3A_289 = vector.shape_cast %add3A_284 : vector<16xf32> to vector<1x16xf32>
      tpu.vector_store %arg6[%swap3A_285, %swap3A_286], %swap3A_289 {strides = array<i32>} : memref<128x128xf32, #tpu.memory_space<vmem>>, vector<1x16xf32>,
      %get3A_290 = arith.index_cast %scan3A_263 : i32 to index
      %get3A_291 = arith.constant 32 : index
      %get3A_292 = tpu.vector_load %arg4[%get3A_290, %get3A_291] {strides = array<i32>} : memref<128x128xf32, #tpu.memory_space<vmem>>, vector<1x16xf32>,
      %get3A_293 = vector.shape_cast %get3A_292 : vector<1x16xf32> to vector<16xf32>
      %add3A_294 = arith.addf %scan3A_266, %get3A_293 : vector<16xf32>
      %swap3A_295 = arith.index_cast %scan3A_263 : i32 to index
      %swap3A_296 = arith.constant 32 : index
      %swap3A_297 = tpu.vector_load %arg6[%swap3A_295, %swap3A_296] {strides = array<i32>} : memref<128x128xf32, #tpu.memory_space<vmem>>, vector<1x16xf32>,
      %swap3A_298 = vector.shape_cast %swap3A_297 : vector<1x16xf32> to vector<16xf32>
      %swap3A_299 = vector.shape_cast %add3A_294 : vector<16xf32> to vector<1x16xf32>
      tpu.vector_store %arg6[%swap3A_295, %swap3A_296], %swap3A_299 {strides = array<i32>} : memref<128x128xf32, #tpu.memory_space<vmem>>, vector<1x16xf32>,
      %get3A_300 = arith.index_cast %scan3A_263 : i32 to index
      %get3A_301 = arith.constant 48 : index
      %get3A_302 = tpu.vector_load %arg4[%get3A_300, %get3A_301] {strides = array<i32>} : memref<128x128xf32, #tpu.memory_space<vmem>>, vector<1x16xf32>,
      %get3A_303 = vector.shape_cast %get3A_302 : vector<1x16xf32> to vector<16xf32>
      %add3A_304 = arith.addf %scan3A_267, %get3A_303 : vector<16xf32>
      %swap3A_305 = arith.index_cast %scan3A_263 : i32 to index
      %swap3A_306 = arith.constant 48 : index
      %swap3A_307 = tpu.vector_load %arg6[%swap3A_305, %swap3A_306] {strides = array<i32>} : memref<128x128xf32, #tpu.memory_space<vmem>>, vector<1x16xf32>,
      %swap3A_308 = vector.shape_cast %swap3A_307 : vector<1x16xf32> to vector<16xf32>
      %swap3A_309 = vector.shape_cast %add3A_304 : vector<16xf32> to vector<1x16xf32>
      tpu.vector_store %arg6[%swap3A_305, %swap3A_306], %swap3A_309 {strides = array<i32>} : memref<128x128xf32, #tpu.memory_space<vmem>>, vector<1x16xf32>,
      %get3A_310 = arith.index_cast %scan3A_263 : i32 to index
      %get3A_311 = arith.constant 64 : index
      %get3A_312 = tpu.vector_load %arg4[%get3A_310, %get3A_311] {strides = array<i32>} : memref<128x128xf32, #tpu.memory_space<vmem>>, vector<1x16xf32>,
      %get3A_313 = vector.shape_cast %get3A_312 : vector<1x16xf32> to vector<16xf32>
      %add3A_314 = arith.addf %scan3A_268, %get3A_313 : vector<16xf32>
      %swap3A_315 = arith.index_cast %scan3A_263 : i32 to index
      %swap3A_316 = arith.constant 64 : index
      %swap3A_317 = tpu.vector_load %arg6[%swap3A_315, %swap3A_316] {strides = array<i32>} : memref<128x128xf32, #tpu.memory_space<vmem>>, vector<1x16xf32>,
      %swap3A_318 = vector.shape_cast %swap3A_317 : vector<1x16xf32> to vector<16xf32>
      %swap3A_319 = vector.shape_cast %add3A_314 : vector<16xf32> to vector<1x16xf32>
      tpu.vector_store %arg6[%swap3A_315, %swap3A_316], %swap3A_319 {strides = array<i32>} : memref<128x128xf32, #tpu.memory_space<vmem>>, vector<1x16xf32>,
      %get3A_320 = arith.index_cast %scan3A_263 : i32 to index
      %get3A_321 = arith.constant 80 : index
      %get3A_322 = tpu.vector_load %arg4[%get3A_320, %get3A_321] {strides = array<i32>} : memref<128x128xf32, #tpu.memory_space<vmem>>, vector<1x16xf32>,
      %get3A_323 = vector.shape_cast %get3A_322 : vector<1x16xf32> to vector<16xf32>
      %add3A_324 = arith.addf %scan3A_269, %get3A_323 : vector<16xf32>
      %swap3A_325 = arith.index_cast %scan3A_263 : i32 to index
      %swap3A_326 = arith.constant 80 : index
      %swap3A_327 = tpu.vector_load %arg6[%swap3A_325, %swap3A_326] {strides = array<i32>} : memref<128x128xf32, #tpu.memory_space<vmem>>, vector<1x16xf32>,
      %swap3A_328 = vector.shape_cast %swap3A_327 : vector<1x16xf32> to vector<16xf32>
      %swap3A_329 = vector.shape_cast %add3A_324 : vector<16xf32> to vector<1x16xf32>
      tpu.vector_store %arg6[%swap3A_325, %swap3A_326], %swap3A_329 {strides = array<i32>} : memref<128x128xf32, #tpu.memory_space<vmem>>, vector<1x16xf32>,
      %get3A_330 = arith.index_cast %scan3A_263 : i32 to index
      %get3A_331 = arith.constant 96 : index
      %get3A_332 = tpu.vector_load %arg4[%get3A_330, %get3A_331] {strides = array<i32>} : memref<128x128xf32, #tpu.memory_space<vmem>>, vector<1x16xf32>,
      %get3A_333 = vector.shape_cast %get3A_332 : vector<1x16xf32> to vector<16xf32>
      %add3A_334 = arith.addf %scan3A_270, %get3A_333 : vector<16xf32>
      %swap3A_335 = arith.index_cast %scan3A_263 : i32 to index
      %swap3A_336 = arith.constant 96 : index
      %swap3A_337 = tpu.vector_load %arg6[%swap3A_335, %swap3A_336] {strides = array<i32>} : memref<128x128xf32, #tpu.memory_space<vmem>>, vector<1x16xf32>,
      %swap3A_338 = vector.shape_cast %swap3A_337 : vector<1x16xf32> to vector<16xf32>
      %swap3A_339 = vector.shape_cast %add3A_334 : vector<16xf32> to vector<1x16xf32>
      tpu.vector_store %arg6[%swap3A_335, %swap3A_336], %swap3A_339 {strides = array<i32>} : memref<128x128xf32, #tpu.memory_space<vmem>>, vector<1x16xf32>,
      %get3A_340 = arith.index_cast %scan3A_263 : i32 to index
      %get3A_341 = arith.constant 112 : index
      %get3A_342 = tpu.vector_load %arg4[%get3A_340, %get3A_341] {strides = array<i32>} : memref<128x128xf32, #tpu.memory_space<vmem>>, vector<1x16xf32>,
      %get3A_343 = vector.shape_cast %get3A_342 : vector<1x16xf32> to vector<16xf32>
      %add3A_344 = arith.addf %scan3A_271, %get3A_343 : vector<16xf32>
      %swap3A_345 = arith.index_cast %scan3A_263 : i32 to index
      %swap3A_346 = arith.constant 112 : index
      %swap3A_347 = tpu.vector_load %arg6[%swap3A_345, %swap3A_346] {strides = array<i32>} : memref<128x128xf32, #tpu.memory_space<vmem>>, vector<1x16xf32>,
      %swap3A_348 = vector.shape_cast %swap3A_347 : vector<1x16xf32> to vector<16xf32>
      %swap3A_349 = vector.shape_cast %add3A_344 : vector<16xf32> to vector<1x16xf32>
      tpu.vector_store %arg6[%swap3A_345, %swap3A_346], %swap3A_349 {strides = array<i32>} : memref<128x128xf32, #tpu.memory_space<vmem>>, vector<1x16xf32>,
      scf.yield %add3A_275, %add3A_284, %add3A_294, %add3A_304, %add3A_314, %add3A_324, %add3A_334, %add3A_344 : vector<16xf32>, vector<16xf32>, vector<16xf32>, vector<16xf32>, vector<16xf32>, vector<16xf32>, vector<16xf32>, vector<16xf32>
    }
    %scan3A_208 = arith.constant 128 : i32
    %dma_start3A_209 = arith.constant 256 : i32
    %dma_start3A_210 = tpu.memref_slice %arg2[%select_n3A_150, %dma_start3A_209, %mul3A_168] : memref<4x4096x2048xf32, #tpu.memory_space<hbm>> -> memref<1x128x128xf32, #tpu.memory_space<hbm>>
    %dma_start3A_211 = tpu.memref_squeeze %dma_start3A_210 : memref<1x128x128xf32, #tpu.memory_space<hbm>> -> memref<128x128xf32, #tpu.memory_space<hbm>>
    %dma_start3A_212 = arith.constant 256 : i32
    %dma_start3A_213 = tpu.memref_slice %arg2[%select_n3A_150, %dma_start3A_212, %mul3A_168] : memref<4x4096x2048xf32, #tpu.memory_space<hbm>> -> memref<1x128x128xf32, #tpu.memory_space<hbm>>
    %dma_start3A_214 = tpu.memref_squeeze %dma_start3A_213 : memref<1x128x128xf32, #tpu.memory_space<hbm>> -> memref<128x128xf32, #tpu.memory_space<hbm>>
    tpu.enqueue_dma source(%dma_start3A_214 : memref<128x128xf32, #tpu.memory_space<hbm>>) target(%arg4 : memref<128x128xf32, #tpu.memory_space<vmem>>) target_semaphore(%arg8 : memref<!tpu.dma_semaphore, #tpu.memory_space<semaphore_mem>>)
    %dma_start3A_215 = arith.constant 0 : i32
    %dma_start3A_216 = tpu.memref_slice %arg3[%select_n3A_150, %dma_start3A_215, %mul3A_168] : memref<4x4096x2048xf32, #tpu.memory_space<hbm>> -> memref<1x128x128xf32, #tpu.memory_space<hbm>>
    %dma_start3A_217 = tpu.memref_squeeze %dma_start3A_216 : memref<1x128x128xf32, #tpu.memory_space<hbm>> -> memref<128x128xf32, #tpu.memory_space<hbm>>
    %dma_start3A_218 = arith.constant 0 : i32
    %dma_start3A_219 = tpu.memref_slice %arg3[%select_n3A_150, %dma_start3A_218, %mul3A_168] : memref<4x4096x2048xf32, #tpu.memory_space<hbm>> -> memref<1x128x128xf32, #tpu.memory_space<hbm>>
    %dma_start3A_220 = tpu.memref_squeeze %dma_start3A_219 : memref<1x128x128xf32, #tpu.memory_space<hbm>> -> memref<128x128xf32, #tpu.memory_space<hbm>>
    tpu.enqueue_dma source(%arg6 : memref<128x128xf32, #tpu.memory_space<vmem>>) target(%dma_start3A_220 : memref<128x128xf32, #tpu.memory_space<hbm>>) target_semaphore(%arg10 : memref<!tpu.dma_semaphore, #tpu.memory_space<semaphore_mem>>)
    %dma_wait3A_221 = arith.constant 128 : i32
    %dma_wait3A_222 = tpu.memref_slice %arg2[%select_n3A_150, %dma_wait3A_221, %mul3A_168] : memref<4x4096x2048xf32, #tpu.memory_space<hbm>> -> memref<1x128x128xf32, #tpu.memory_space<hbm>>
    %dma_wait3A_223 = tpu.memref_squeeze %dma_wait3A_222 : memref<1x128x128xf32, #tpu.memory_space<hbm>> -> memref<128x128xf32, #tpu.memory_space<hbm>>
    %dma_wait3A_224 = arith.constant 128 : i32
    %dma_wait3A_225 = tpu.memref_slice %arg2[%select_n3A_150, %dma_wait3A_224, %mul3A_168] : memref<4x4096x2048xf32, #tpu.memory_space<hbm>> -> memref<1x128x128xf32, #tpu.memory_space<hbm>>
    %dma_wait3A_226 = tpu.memref_squeeze %dma_wait3A_225 : memref<1x128x128xf32, #tpu.memory_space<hbm>> -> memref<128x128xf32, #tpu.memory_space<hbm>>
    tpu.wait_dma2 semaphore(%arg9 : memref<!tpu.dma_semaphore, #tpu.memory_space<semaphore_mem>>) src(%dma_wait3A_226 : memref<128x128xf32, #tpu.memory_space<hbm>>) dst(%arg5 : memref<128x128xf32, #tpu.memory_space<vmem>>)
    %scan3A_227 = arith.constant 0 : i32
    %scan3A_228 = arith.constant 128 : i32
    %scan3A_229 = arith.addi %scan3A_227, %scan3A_228 : i32
    %scan3A_230 = arith.constant 1 : i32
    %scan3A_231:8 = scf.for %scan3A_263 = %scan3A_227 to %scan3A_229 step %scan3A_230 iter_args(%scan3A_264 = %scan3A_207#0, %scan3A_265 = %scan3A_207#1, %scan3A_266 = %scan3A_207#2, %scan3A_267 = %scan3A_207#3, %scan3A_268 = %scan3A_207#4, %scan3A_269 = %scan3A_207#5, %scan3A_270 = %scan3A_207#6, %scan3A_271 = %scan3A_207#7) -> (vector<16xf32>, vector<16xf32>, vector<16xf32>, vector<16xf32>, vector<16xf32>, vector<16xf32>, vector<16xf32>, vector<16xf32>)  : i32 {
      %get3A = arith.index_cast %scan3A_263 : i32 to index
      %get3A_272 = arith.constant 0 : index
      %get3A_273 = tpu.vector_load %arg5[%get3A, %get3A_272] {strides = array<i32>} : memref<128x128xf32, #tpu.memory_space<vmem>>, vector<1x16xf32>,
      %get3A_274 = vector.shape_cast %get3A_273 : vector<1x16xf32> to vector<16xf32>
      %add3A_275 = arith.addf %scan3A_264, %get3A_274 : vector<16xf32>
      %swap3A = arith.index_cast %scan3A_263 : i32 to index
      %swap3A_276 = arith.constant 0 : index
      %swap3A_277 = tpu.vector_load %arg7[%swap3A, %swap3A_276] {strides = array<i32>} : memref<128x128xf32, #tpu.memory_space<vmem>>, vector<1x16xf32>,
      %swap3A_278 = vector.shape_cast %swap3A_277 : vector<1x16xf32> to vector<16xf32>
      %swap3A_279 = vector.shape_cast %add3A_275 : vector<16xf32> to vector<1x16xf32>
      tpu.vector_store %arg7[%swap3A, %swap3A_276], %swap3A_279 {strides = array<i32>} : memref<128x128xf32, #tpu.memory_space<vmem>>, vector<1x16xf32>,
      %get3A_280 = arith.index_cast %scan3A_263 : i32 to index
      %get3A_281 = arith.constant 16 : index
      %get3A_282 = tpu.vector_load %arg5[%get3A_280, %get3A_281] {strides = array<i32>} : memref<128x128xf32, #tpu.memory_space<vmem>>, vector<1x16xf32>,
      %get3A_283 = vector.shape_cast %get3A_282 : vector<1x16xf32> to vector<16xf32>
      %add3A_284 = arith.addf %scan3A_265, %get3A_283 : vector<16xf32>
      %swap3A_285 = arith.index_cast %scan3A_263 : i32 to index
      %swap3A_286 = arith.constant 16 : index
      %swap3A_287 = tpu.vector_load %arg7[%swap3A_285, %swap3A_286] {strides = array<i32>} : memref<128x128xf32, #tpu.memory_space<vmem>>, vector<1x16xf32>,
      %swap3A_288 = vector.shape_cast %swap3A_287 : vector<1x16xf32> to vector<16xf32>
      %swap3A_289 = vector.shape_cast %add3A_284 : vector<16xf32> to vector<1x16xf32>
      tpu.vector_store %arg7[%swap3A_285, %swap3A_286], %swap3A_289 {strides = array<i32>} : memref<128x128xf32, #tpu.memory_space<vmem>>, vector<1x16xf32>,
      %get3A_290 = arith.index_cast %scan3A_263 : i32 to index
      %get3A_291 = arith.constant 32 : index
      %get3A_292 = tpu.vector_load %arg5[%get3A_290, %get3A_291] {strides = array<i32>} : memref<128x128xf32, #tpu.memory_space<vmem>>, vector<1x16xf32>,
      %get3A_293 = vector.shape_cast %get3A_292 : vector<1x16xf32> to vector<16xf32>
      %add3A_294 = arith.addf %scan3A_266, %get3A_293 : vector<16xf32>
      %swap3A_295 = arith.index_cast %scan3A_263 : i32 to index
      %swap3A_296 = arith.constant 32 : index
      %swap3A_297 = tpu.vector_load %arg7[%swap3A_295, %swap3A_296] {strides = array<i32>} : memref<128x128xf32, #tpu.memory_space<vmem>>, vector<1x16xf32>,
      %swap3A_298 = vector.shape_cast %swap3A_297 : vector<1x16xf32> to vector<16xf32>
      %swap3A_299 = vector.shape_cast %add3A_294 : vector<16xf32> to vector<1x16xf32>
      tpu.vector_store %arg7[%swap3A_295, %swap3A_296], %swap3A_299 {strides = array<i32>} : memref<128x128xf32, #tpu.memory_space<vmem>>, vector<1x16xf32>,
      %get3A_300 = arith.index_cast %scan3A_263 : i32 to index
      %get3A_301 = arith.constant 48 : index
      %get3A_302 = tpu.vector_load %arg5[%get3A_300, %get3A_301] {strides = array<i32>} : memref<128x128xf32, #tpu.memory_space<vmem>>, vector<1x16xf32>,
      %get3A_303 = vector.shape_cast %get3A_302 : vector<1x16xf32> to vector<16xf32>
      %add3A_304 = arith.addf %scan3A_267, %get3A_303 : vector<16xf32>
      %swap3A_305 = arith.index_cast %scan3A_263 : i32 to index
      %swap3A_306 = arith.constant 48 : index
      %swap3A_307 = tpu.vector_load %arg7[%swap3A_305, %swap3A_306] {strides = array<i32>} : memref<128x128xf32, #tpu.memory_space<vmem>>, vector<1x16xf32>,
      %swap3A_308 = vector.shape_cast %swap3A_307 : vector<1x16xf32> to vector<16xf32>
      %swap3A_309 = vector.shape_cast %add3A_304 : vector<16xf32> to vector<1x16xf32>
      tpu.vector_store %arg7[%swap3A_305, %swap3A_306], %swap3A_309 {strides = array<i32>} : memref<128x128xf32, #tpu.memory_space<vmem>>, vector<1x16xf32>,
      %get3A_310 = arith.index_cast %scan3A_263 : i32 to index
      %get3A_311 = arith.constant 64 : index
      %get3A_312 = tpu.vector_load %arg5[%get3A_310, %get3A_311] {strides = array<i32>} : memref<128x128xf32, #tpu.memory_space<vmem>>, vector<1x16xf32>,
      %get3A_313 = vector.shape_cast %get3A_312 : vector<1x16xf32> to vector<16xf32>
      %add3A_314 = arith.addf %scan3A_268, %get3A_313 : vector<16xf32>
      %swap3A_315 = arith.index_cast %scan3A_263 : i32 to index
      %swap3A_316 = arith.constant 64 : index
      %swap3A_317 = tpu.vector_load %arg7[%swap3A_315, %swap3A_316] {strides = array<i32>} : memref<128x128xf32, #tpu.memory_space<vmem>>, vector<1x16xf32>,
      %swap3A_318 = vector.shape_cast %swap3A_317 : vector<1x16xf32> to vector<16xf32>
      %swap3A_319 = vector.shape_cast %add3A_314 : vector<16xf32> to vector<1x16xf32>
      tpu.vector_store %arg7[%swap3A_315, %swap3A_316], %swap3A_319 {strides = array<i32>} : memref<128x128xf32, #tpu.memory_space<vmem>>, vector<1x16xf32>,
      %get3A_320 = arith.index_cast %scan3A_263 : i32 to index
      %get3A_321 = arith.constant 80 : index
      %get3A_322 = tpu.vector_load %arg5[%get3A_320, %get3A_321] {strides = array<i32>} : memref<128x128xf32, #tpu.memory_space<vmem>>, vector<1x16xf32>,
      %get3A_323 = vector.shape_cast %get3A_322 : vector<1x16xf32> to vector<16xf32>
      %add3A_324 = arith.addf %scan3A_269, %get3A_323 : vector<16xf32>
      %swap3A_325 = arith.index_cast %scan3A_263 : i32 to index
      %swap3A_326 = arith.constant 80 : index
      %swap3A_327 = tpu.vector_load %arg7[%swap3A_325, %swap3A_326] {strides = array<i32>} : memref<128x128xf32, #tpu.memory_space<vmem>>, vector<1x16xf32>,
      %swap3A_328 = vector.shape_cast %swap3A_327 : vector<1x16xf32> to vector<16xf32>
      %swap3A_329 = vector.shape_cast %add3A_324 : vector<16xf32> to vector<1x16xf32>
      tpu.vector_store %arg7[%swap3A_325, %swap3A_326], %swap3A_329 {strides = array<i32>} : memref<128x128xf32, #tpu.memory_space<vmem>>, vector<1x16xf32>,
      %get3A_330 = arith.index_cast %scan3A_263 : i32 to index
      %get3A_331 = arith.constant 96 : index
      %get3A_332 = tpu.vector_load %arg5[%get3A_330, %get3A_331] {strides = array<i32>} : memref<128x128xf32, #tpu.memory_space<vmem>>, vector<1x16xf32>,
      %get3A_333 = vector.shape_cast %get3A_332 : vector<1x16xf32> to vector<16xf32>
      %add3A_334 = arith.addf %scan3A_270, %get3A_333 : vector<16xf32>
      %swap3A_335 = arith.index_cast %scan3A_263 : i32 to index
      %swap3A_336 = arith.constant 96 : index
      %swap3A_337 = tpu.vector_load %arg7[%swap3A_335, %swap3A_336] {strides = array<i32>} : memref<128x128xf32, #tpu.memory_space<vmem>>, vector<1x16xf32>,
      %swap3A_338 = vector.shape_cast %swap3A_337 : vector<1x16xf32> to vector<16xf32>
      %swap3A_339 = vector.shape_cast %add3A_334 : vector<16xf32> to vector<1x16xf32>
      tpu.vector_store %arg7[%swap3A_335, %swap3A_336], %swap3A_339 {strides = array<i32>} : memref<128x128xf32, #tpu.memory_space<vmem>>, vector<1x16xf32>,
      %get3A_340 = arith.index_cast %scan3A_263 : i32 to index
      %get3A_341 = arith.constant 112 : index
      %get3A_342 = tpu.vector_load %arg5[%get3A_340, %get3A_341] {strides = array<i32>} : memref<128x128xf32, #tpu.memory_space<vmem>>, vector<1x16xf32>,
      %get3A_343 = vector.shape_cast %get3A_342 : vector<1x16xf32> to vector<16xf32>
      %add3A_344 = arith.addf %scan3A_271, %get3A_343 : vector<16xf32>
      %swap3A_345 = arith.index_cast %scan3A_263 : i32 to index
      %swap3A_346 = arith.constant 112 : index
      %swap3A_347 = tpu.vector_load %arg7[%swap3A_345, %swap3A_346] {strides = array<i32>} : memref<128x128xf32, #tpu.memory_space<vmem>>, vector<1x16xf32>,
      %swap3A_348 = vector.shape_cast %swap3A_347 : vector<1x16xf32> to vector<16xf32>
      %swap3A_349 = vector.shape_cast %add3A_344 : vector<16xf32> to vector<1x16xf32>
      tpu.vector_store %arg7[%swap3A_345, %swap3A_346], %swap3A_349 {strides = array<i32>} : memref<128x128xf32, #tpu.memory_space<vmem>>, vector<1x16xf32>,
      scf.yield %add3A_275, %add3A_284, %add3A_294, %add3A_304, %add3A_314, %add3A_324, %add3A_334, %add3A_344 : vector<16xf32>, vector<16xf32>, vector<16xf32>, vector<16xf32>, vector<16xf32>, vector<16xf32>, vector<16xf32>, vector<16xf32>
    }
    %scan3A_232 = arith.constant 128 : i32
    %dma_start3A_233 = arith.constant 384 : i32
    %dma_start3A_234 = tpu.memref_slice %arg2[%select_n3A_150, %dma_start3A_233, %mul3A_168] : memref<4x4096x2048xf32, #tpu.memory_space<hbm>> -> memref<1x128x128xf32, #tpu.memory_space<hbm>>
    %dma_start3A_235 = tpu.memref_squeeze %dma_start3A_234 : memref<1x128x128xf32, #tpu.memory_space<hbm>> -> memref<128x128xf32, #tpu.memory_space<hbm>>
    %dma_start3A_236 = arith.constant 384 : i32
    %dma_start3A_237 = tpu.memref_slice %arg2[%select_n3A_150, %dma_start3A_236, %mul3A_168] : memref<4x4096x2048xf32, #tpu.memory_space<hbm>> -> memref<1x128x128xf32, #tpu.memory_space<hbm>>
    %dma_start3A_238 = tpu.memref_squeeze %dma_start3A_237 : memref<1x128x128xf32, #tpu.memory_space<hbm>> -> memref<128x128xf32, #tpu.memory_space<hbm>>
    tpu.enqueue_dma source(%dma_start3A_238 : memref<128x128xf32, #tpu.memory_space<hbm>>) target(%arg5 : memref<128x128xf32, #tpu.memory_space<vmem>>) target_semaphore(%arg9 : memref<!tpu.dma_semaphore, #tpu.memory_space<semaphore_mem>>)
    %dma_start3A_239 = arith.constant 128 : i32
    %dma_start3A_240 = tpu.memref_slice %arg3[%select_n3A_150, %dma_start3A_239, %mul3A_168] : memref<4x4096x2048xf32, #tpu.memory_space<hbm>> -> memref<1x128x128xf32, #tpu.memory_space<hbm>>
    %dma_start3A_241 = tpu.memref_squeeze %dma_start3A_240 : memref<1x128x128xf32, #tpu.memory_space<hbm>> -> memref<128x128xf32, #tpu.memory_space<hbm>>
    %dma_start3A_242 = arith.constant 128 : i32
    %dma_start3A_243 = tpu.memref_slice %arg3[%select_n3A_150, %dma_start3A_242, %mul3A_168] : memref<4x4096x2048xf32, #tpu.memory_space<hbm>> -> memref<1x128x128xf32, #tpu.memory_space<hbm>>
    %dma_start3A_244 = tpu.memref_squeeze %dma_start3A_243 : memref<1x128x128xf32, #tpu.memory_space<hbm>> -> memref<128x128xf32, #tpu.memory_space<hbm>>
    tpu.enqueue_dma source(%arg7 : memref<128x128xf32, #tpu.memory_space<vmem>>) target(%dma_start3A_244 : memref<128x128xf32, #tpu.memory_space<hbm>>) target_semaphore(%arg11 : memref<!tpu.dma_semaphore, #tpu.memory_space<semaphore_mem>>)
    %scan3A_245 = arith.constant 1 : i32
    %scan3A_246 = arith.constant 15 : i32
    %scan3A_247 = arith.addi %scan3A_245, %scan3A_246 : i32
    %scan3A_248 = arith.constant 1 : i32
    %scan3A_249:8 = scf.for %scan3A_263 = %scan3A_245 to %scan3A_247 step %scan3A_248 iter_args(%scan3A_264 = %scan3A_231#0, %scan3A_265 = %scan3A_231#1, %scan3A_266 = %scan3A_231#2, %scan3A_267 = %scan3A_231#3, %scan3A_268 = %scan3A_231#4, %scan3A_269 = %scan3A_231#5, %scan3A_270 = %scan3A_231#6, %scan3A_271 = %scan3A_231#7) -> (vector<16xf32>, vector<16xf32>, vector<16xf32>, vector<16xf32>, vector<16xf32>, vector<16xf32>, vector<16xf32>, vector<16xf32>)  : i32 {
      %mul3A_272 = arith.constant 2 : i32
      %mul3A_273 = arith.muli %scan3A_263, %mul3A_272 : i32
      %add3A_274 = arith.constant 0 : i32
      %add3A_275 = arith.addi %mul3A_273, %add3A_274 : i32
      %mul3A_276 = arith.constant 128 : i32
      %mul3A_277 = arith.muli %add3A_275, %mul3A_276 : i32
      %dma_wait3A_278 = tpu.memref_slice %arg2[%select_n3A_150, %mul3A_277, %mul3A_168] : memref<4x4096x2048xf32, #tpu.memory_space<hbm>> -> memref<1x128x128xf32, #tpu.memory_space<hbm>>
      %dma_wait3A_279 = tpu.memref_squeeze %dma_wait3A_278 : memref<1x128x128xf32, #tpu.memory_space<hbm>> -> memref<128x128xf32, #tpu.memory_space<hbm>>
      %dma_wait3A_280 = tpu.memref_slice %arg2[%select_n3A_150, %mul3A_277, %mul3A_168] : memref<4x4096x2048xf32, #tpu.memory_space<hbm>> -> memref<1x128x128xf32, #tpu.memory_space<hbm>>
      %dma_wait3A_281 = tpu.memref_squeeze %dma_wait3A_280 : memref<1x128x128xf32, #tpu.memory_space<hbm>> -> memref<128x128xf32, #tpu.memory_space<hbm>>
      tpu.wait_dma2 semaphore(%arg8 : memref<!tpu.dma_semaphore, #tpu.memory_space<semaphore_mem>>) src(%dma_wait3A_281 : memref<128x128xf32, #tpu.memory_space<hbm>>) dst(%arg4 : memref<128x128xf32, #tpu.memory_space<vmem>>)
      %mul3A_282 = arith.constant 128 : i32
      %mul3A_283 = arith.muli %add3A_275, %mul3A_282 : i32
      %dma_wait3A_284 = tpu.memref_slice %arg3[%select_n3A_150, %mul3A_283, %mul3A_168] : memref<4x4096x2048xf32, #tpu.memory_space<hbm>> -> memref<1x128x128xf32, #tpu.memory_space<hbm>>
      %dma_wait3A_285 = tpu.memref_squeeze %dma_wait3A_284 : memref<1x128x128xf32, #tpu.memory_space<hbm>> -> memref<128x128xf32, #tpu.memory_space<hbm>>
      %dma_wait3A_286 = tpu.memref_slice %arg3[%select_n3A_150, %mul3A_283, %mul3A_168] : memref<4x4096x2048xf32, #tpu.memory_space<hbm>> -> memref<1x128x128xf32, #tpu.memory_space<hbm>>
      %dma_wait3A_287 = tpu.memref_squeeze %dma_wait3A_286 : memref<1x128x128xf32, #tpu.memory_space<hbm>> -> memref<128x128xf32, #tpu.memory_space<hbm>>
      tpu.wait_dma2 semaphore(%arg10 : memref<!tpu.dma_semaphore, #tpu.memory_space<semaphore_mem>>) src(%arg6 : memref<128x128xf32, #tpu.memory_space<vmem>>) dst(%dma_wait3A_287 : memref<128x128xf32, #tpu.memory_space<hbm>>)
      %scan3A_288 = arith.constant 0 : i32
      %scan3A_289 = arith.constant 128 : i32
      %scan3A_290 = arith.addi %scan3A_288, %scan3A_289 : i32
      %scan3A_291 = arith.constant 1 : i32
      %scan3A_292:8 = scf.for %scan3A_338 = %scan3A_288 to %scan3A_290 step %scan3A_291 iter_args(%scan3A_339 = %scan3A_264, %scan3A_340 = %scan3A_265, %scan3A_341 = %scan3A_266, %scan3A_342 = %scan3A_267, %scan3A_343 = %scan3A_268, %scan3A_344 = %scan3A_269, %scan3A_345 = %scan3A_270, %scan3A_346 = %scan3A_271) -> (vector<16xf32>, vector<16xf32>, vector<16xf32>, vector<16xf32>, vector<16xf32>, vector<16xf32>, vector<16xf32>, vector<16xf32>)  : i32 {
        %get3A = arith.index_cast %scan3A_338 : i32 to index
        %get3A_347 = arith.constant 0 : index
        %get3A_348 = tpu.vector_load %arg4[%get3A, %get3A_347] {strides = array<i32>} : memref<128x128xf32, #tpu.memory_space<vmem>>, vector<1x16xf32>,
        %get3A_349 = vector.shape_cast %get3A_348 : vector<1x16xf32> to vector<16xf32>
        %add3A_350 = arith.addf %scan3A_339, %get3A_349 : vector<16xf32>
        %swap3A = arith.index_cast %scan3A_338 : i32 to index
        %swap3A_351 = arith.constant 0 : index
        %swap3A_352 = tpu.vector_load %arg6[%swap3A, %swap3A_351] {strides = array<i32>} : memref<128x128xf32, #tpu.memory_space<vmem>>, vector<1x16xf32>,
        %swap3A_353 = vector.shape_cast %swap3A_352 : vector<1x16xf32> to vector<16xf32>
        %swap3A_354 = vector.shape_cast %add3A_350 : vector<16xf32> to vector<1x16xf32>
        tpu.vector_store %arg6[%swap3A, %swap3A_351], %swap3A_354 {strides = array<i32>} : memref<128x128xf32, #tpu.memory_space<vmem>>, vector<1x16xf32>,
        %get3A_355 = arith.index_cast %scan3A_338 : i32 to index
        %get3A_356 = arith.constant 16 : index
        %get3A_357 = tpu.vector_load %arg4[%get3A_355, %get3A_356] {strides = array<i32>} : memref<128x128xf32, #tpu.memory_space<vmem>>, vector<1x16xf32>,
        %get3A_358 = vector.shape_cast %get3A_357 : vector<1x16xf32> to vector<16xf32>
        %add3A_359 = arith.addf %scan3A_340, %get3A_358 : vector<16xf32>
        %swap3A_360 = arith.index_cast %scan3A_338 : i32 to index
        %swap3A_361 = arith.constant 16 : index
        %swap3A_362 = tpu.vector_load %arg6[%swap3A_360, %swap3A_361] {strides = array<i32>} : memref<128x128xf32, #tpu.memory_space<vmem>>, vector<1x16xf32>,
        %swap3A_363 = vector.shape_cast %swap3A_362 : vector<1x16xf32> to vector<16xf32>
        %swap3A_364 = vector.shape_cast %add3A_359 : vector<16xf32> to vector<1x16xf32>
        tpu.vector_store %arg6[%swap3A_360, %swap3A_361], %swap3A_364 {strides = array<i32>} : memref<128x128xf32, #tpu.memory_space<vmem>>, vector<1x16xf32>,
        %get3A_365 = arith.index_cast %scan3A_338 : i32 to index
        %get3A_366 = arith.constant 32 : index
        %get3A_367 = tpu.vector_load %arg4[%get3A_365, %get3A_366] {strides = array<i32>} : memref<128x128xf32, #tpu.memory_space<vmem>>, vector<1x16xf32>,
        %get3A_368 = vector.shape_cast %get3A_367 : vector<1x16xf32> to vector<16xf32>
        %add3A_369 = arith.addf %scan3A_341, %get3A_368 : vector<16xf32>
        %swap3A_370 = arith.index_cast %scan3A_338 : i32 to index
        %swap3A_371 = arith.constant 32 : index
        %swap3A_372 = tpu.vector_load %arg6[%swap3A_370, %swap3A_371] {strides = array<i32>} : memref<128x128xf32, #tpu.memory_space<vmem>>, vector<1x16xf32>,
        %swap3A_373 = vector.shape_cast %swap3A_372 : vector<1x16xf32> to vector<16xf32>
        %swap3A_374 = vector.shape_cast %add3A_369 : vector<16xf32> to vector<1x16xf32>
        tpu.vector_store %arg6[%swap3A_370, %swap3A_371], %swap3A_374 {strides = array<i32>} : memref<128x128xf32, #tpu.memory_space<vmem>>, vector<1x16xf32>,
        %get3A_375 = arith.index_cast %scan3A_338 : i32 to index
        %get3A_376 = arith.constant 48 : index
        %get3A_377 = tpu.vector_load %arg4[%get3A_375, %get3A_376] {strides = array<i32>} : memref<128x128xf32, #tpu.memory_space<vmem>>, vector<1x16xf32>,
        %get3A_378 = vector.shape_cast %get3A_377 : vector<1x16xf32> to vector<16xf32>
        %add3A_379 = arith.addf %scan3A_342, %get3A_378 : vector<16xf32>
        %swap3A_380 = arith.index_cast %scan3A_338 : i32 to index
        %swap3A_381 = arith.constant 48 : index
        %swap3A_382 = tpu.vector_load %arg6[%swap3A_380, %swap3A_381] {strides = array<i32>} : memref<128x128xf32, #tpu.memory_space<vmem>>, vector<1x16xf32>,
        %swap3A_383 = vector.shape_cast %swap3A_382 : vector<1x16xf32> to vector<16xf32>
        %swap3A_384 = vector.shape_cast %add3A_379 : vector<16xf32> to vector<1x16xf32>
        tpu.vector_store %arg6[%swap3A_380, %swap3A_381], %swap3A_384 {strides = array<i32>} : memref<128x128xf32, #tpu.memory_space<vmem>>, vector<1x16xf32>,
        %get3A_385 = arith.index_cast %scan3A_338 : i32 to index
        %get3A_386 = arith.constant 64 : index
        %get3A_387 = tpu.vector_load %arg4[%get3A_385, %get3A_386] {strides = array<i32>} : memref<128x128xf32, #tpu.memory_space<vmem>>, vector<1x16xf32>,
        %get3A_388 = vector.shape_cast %get3A_387 : vector<1x16xf32> to vector<16xf32>
        %add3A_389 = arith.addf %scan3A_343, %get3A_388 : vector<16xf32>
        %swap3A_390 = arith.index_cast %scan3A_338 : i32 to index
        %swap3A_391 = arith.constant 64 : index
        %swap3A_392 = tpu.vector_load %arg6[%swap3A_390, %swap3A_391] {strides = array<i32>} : memref<128x128xf32, #tpu.memory_space<vmem>>, vector<1x16xf32>,
        %swap3A_393 = vector.shape_cast %swap3A_392 : vector<1x16xf32> to vector<16xf32>
        %swap3A_394 = vector.shape_cast %add3A_389 : vector<16xf32> to vector<1x16xf32>
        tpu.vector_store %arg6[%swap3A_390, %swap3A_391], %swap3A_394 {strides = array<i32>} : memref<128x128xf32, #tpu.memory_space<vmem>>, vector<1x16xf32>,
        %get3A_395 = arith.index_cast %scan3A_338 : i32 to index
        %get3A_396 = arith.constant 80 : index
        %get3A_397 = tpu.vector_load %arg4[%get3A_395, %get3A_396] {strides = array<i32>} : memref<128x128xf32, #tpu.memory_space<vmem>>, vector<1x16xf32>,
        %get3A_398 = vector.shape_cast %get3A_397 : vector<1x16xf32> to vector<16xf32>
        %add3A_399 = arith.addf %scan3A_344, %get3A_398 : vector<16xf32>
        %swap3A_400 = arith.index_cast %scan3A_338 : i32 to index
        %swap3A_401 = arith.constant 80 : index
        %swap3A_402 = tpu.vector_load %arg6[%swap3A_400, %swap3A_401] {strides = array<i32>} : memref<128x128xf32, #tpu.memory_space<vmem>>, vector<1x16xf32>,
        %swap3A_403 = vector.shape_cast %swap3A_402 : vector<1x16xf32> to vector<16xf32>
        %swap3A_404 = vector.shape_cast %add3A_399 : vector<16xf32> to vector<1x16xf32>
        tpu.vector_store %arg6[%swap3A_400, %swap3A_401], %swap3A_404 {strides = array<i32>} : memref<128x128xf32, #tpu.memory_space<vmem>>, vector<1x16xf32>,
        %get3A_405 = arith.index_cast %scan3A_338 : i32 to index
        %get3A_406 = arith.constant 96 : index
        %get3A_407 = tpu.vector_load %arg4[%get3A_405, %get3A_406] {strides = array<i32>} : memref<128x128xf32, #tpu.memory_space<vmem>>, vector<1x16xf32>,
        %get3A_408 = vector.shape_cast %get3A_407 : vector<1x16xf32> to vector<16xf32>
        %add3A_409 = arith.addf %scan3A_345, %get3A_408 : vector<16xf32>
        %swap3A_410 = arith.index_cast %scan3A_338 : i32 to index
        %swap3A_411 = arith.constant 96 : index
        %swap3A_412 = tpu.vector_load %arg6[%swap3A_410, %swap3A_411] {strides = array<i32>} : memref<128x128xf32, #tpu.memory_space<vmem>>, vector<1x16xf32>,
        %swap3A_413 = vector.shape_cast %swap3A_412 : vector<1x16xf32> to vector<16xf32>
        %swap3A_414 = vector.shape_cast %add3A_409 : vector<16xf32> to vector<1x16xf32>
        tpu.vector_store %arg6[%swap3A_410, %swap3A_411], %swap3A_414 {strides = array<i32>} : memref<128x128xf32, #tpu.memory_space<vmem>>, vector<1x16xf32>,
        %get3A_415 = arith.index_cast %scan3A_338 : i32 to index
        %get3A_416 = arith.constant 112 : index
        %get3A_417 = tpu.vector_load %arg4[%get3A_415, %get3A_416] {strides = array<i32>} : memref<128x128xf32, #tpu.memory_space<vmem>>, vector<1x16xf32>,
        %get3A_418 = vector.shape_cast %get3A_417 : vector<1x16xf32> to vector<16xf32>
        %add3A_419 = arith.addf %scan3A_346, %get3A_418 : vector<16xf32>
        %swap3A_420 = arith.index_cast %scan3A_338 : i32 to index
        %swap3A_421 = arith.constant 112 : index
        %swap3A_422 = tpu.vector_load %arg6[%swap3A_420, %swap3A_421] {strides = array<i32>} : memref<128x128xf32, #tpu.memory_space<vmem>>, vector<1x16xf32>,
        %swap3A_423 = vector.shape_cast %swap3A_422 : vector<1x16xf32> to vector<16xf32>
        %swap3A_424 = vector.shape_cast %add3A_419 : vector<16xf32> to vector<1x16xf32>
        tpu.vector_store %arg6[%swap3A_420, %swap3A_421], %swap3A_424 {strides = array<i32>} : memref<128x128xf32, #tpu.memory_space<vmem>>, vector<1x16xf32>,
        scf.yield %add3A_350, %add3A_359, %add3A_369, %add3A_379, %add3A_389, %add3A_399, %add3A_409, %add3A_419 : vector<16xf32>, vector<16xf32>, vector<16xf32>, vector<16xf32>, vector<16xf32>, vector<16xf32>, vector<16xf32>, vector<16xf32>
      }
      %scan3A_293 = arith.constant 128 : i32
      %add3A_294 = arith.constant 2 : i32
      %add3A_295 = arith.addi %add3A_275, %add3A_294 : i32
      %lt3A_296 = arith.constant 32 : i32
      %lt3A_297 = arith.cmpi slt, %add3A_295, %lt3A_296 : i32
      %convert_element_type3A = arith.extui %lt3A_297 : i1 to i32
      %cond3A = arith.constant 0 : i32
      %cond3A_298 = arith.cmpi ne, %convert_element_type3A, %cond3A : i32
      scf.if %cond3A_298 {
        %add3A_338 = arith.constant 2 : i32
        %add3A_339 = arith.addi %add3A_275, %add3A_338 : i32
        %mul3A_340 = arith.constant 128 : i32
        %mul3A_341 = arith.muli %add3A_339, %mul3A_340 : i32
        %dma_start3A_342 = tpu.memref_slice %arg2[%select_n3A_150, %mul3A_341, %mul3A_168] : memref<4x4096x2048xf32, #tpu.memory_space<hbm>> -> memref<1x128x128xf32, #tpu.memory_space<hbm>>
        %dma_start3A_343 = tpu.memref_squeeze %dma_start3A_342 : memref<1x128x128xf32, #tpu.memory_space<hbm>> -> memref<128x128xf32, #tpu.memory_space<hbm>>
        %dma_start3A_344 = tpu.memref_slice %arg2[%select_n3A_150, %mul3A_341, %mul3A_168] : memref<4x4096x2048xf32, #tpu.memory_space<hbm>> -> memref<1x128x128xf32, #tpu.memory_space<hbm>>
        %dma_start3A_345 = tpu.memref_squeeze %dma_start3A_344 : memref<1x128x128xf32, #tpu.memory_space<hbm>> -> memref<128x128xf32, #tpu.memory_space<hbm>>
        tpu.enqueue_dma source(%dma_start3A_345 : memref<128x128xf32, #tpu.memory_space<hbm>>) target(%arg4 : memref<128x128xf32, #tpu.memory_space<vmem>>) target_semaphore(%arg8 : memref<!tpu.dma_semaphore, #tpu.memory_space<semaphore_mem>>)
      } else {
      }
      %mul3A_299 = arith.constant 128 : i32
      %mul3A_300 = arith.muli %add3A_275, %mul3A_299 : i32
      %dma_start3A_301 = tpu.memref_slice %arg3[%select_n3A_150, %mul3A_300, %mul3A_168] : memref<4x4096x2048xf32, #tpu.memory_space<hbm>> -> memref<1x128x128xf32, #tpu.memory_space<hbm>>
      %dma_start3A_302 = tpu.memref_squeeze %dma_start3A_301 : memref<1x128x128xf32, #tpu.memory_space<hbm>> -> memref<128x128xf32, #tpu.memory_space<hbm>>
      %dma_start3A_303 = tpu.memref_slice %arg3[%select_n3A_150, %mul3A_300, %mul3A_168] : memref<4x4096x2048xf32, #tpu.memory_space<hbm>> -> memref<1x128x128xf32, #tpu.memory_space<hbm>>
      %dma_start3A_304 = tpu.memref_squeeze %dma_start3A_303 : memref<1x128x128xf32, #tpu.memory_space<hbm>> -> memref<128x128xf32, #tpu.memory_space<hbm>>
      tpu.enqueue_dma source(%arg6 : memref<128x128xf32, #tpu.memory_space<vmem>>) target(%dma_start3A_304 : memref<128x128xf32, #tpu.memory_space<hbm>>) target_semaphore(%arg10 : memref<!tpu.dma_semaphore, #tpu.memory_space<semaphore_mem>>)
      %add3A_305 = arith.constant 1 : i32
      %add3A_306 = arith.addi %mul3A_273, %add3A_305 : i32
      %mul3A_307 = arith.constant 128 : i32
      %mul3A_308 = arith.muli %add3A_306, %mul3A_307 : i32
      %dma_wait3A_309 = tpu.memref_slice %arg2[%select_n3A_150, %mul3A_308, %mul3A_168] : memref<4x4096x2048xf32, #tpu.memory_space<hbm>> -> memref<1x128x128xf32, #tpu.memory_space<hbm>>
      %dma_wait3A_310 = tpu.memref_squeeze %dma_wait3A_309 : memref<1x128x128xf32, #tpu.memory_space<hbm>> -> memref<128x128xf32, #tpu.memory_space<hbm>>
      %dma_wait3A_311 = tpu.memref_slice %arg2[%select_n3A_150, %mul3A_308, %mul3A_168] : memref<4x4096x2048xf32, #tpu.memory_space<hbm>> -> memref<1x128x128xf32, #tpu.memory_space<hbm>>
      %dma_wait3A_312 = tpu.memref_squeeze %dma_wait3A_311 : memref<1x128x128xf32, #tpu.memory_space<hbm>> -> memref<128x128xf32, #tpu.memory_space<hbm>>
      tpu.wait_dma2 semaphore(%arg9 : memref<!tpu.dma_semaphore, #tpu.memory_space<semaphore_mem>>) src(%dma_wait3A_312 : memref<128x128xf32, #tpu.memory_space<hbm>>) dst(%arg5 : memref<128x128xf32, #tpu.memory_space<vmem>>)
      %mul3A_313 = arith.constant 128 : i32
      %mul3A_314 = arith.muli %add3A_306, %mul3A_313 : i32
      %dma_wait3A_315 = tpu.memref_slice %arg3[%select_n3A_150, %mul3A_314, %mul3A_168] : memref<4x4096x2048xf32, #tpu.memory_space<hbm>> -> memref<1x128x128xf32, #tpu.memory_space<hbm>>
      %dma_wait3A_316 = tpu.memref_squeeze %dma_wait3A_315 : memref<1x128x128xf32, #tpu.memory_space<hbm>> -> memref<128x128xf32, #tpu.memory_space<hbm>>
      %dma_wait3A_317 = tpu.memref_slice %arg3[%select_n3A_150, %mul3A_314, %mul3A_168] : memref<4x4096x2048xf32, #tpu.memory_space<hbm>> -> memref<1x128x128xf32, #tpu.memory_space<hbm>>
      %dma_wait3A_318 = tpu.memref_squeeze %dma_wait3A_317 : memref<1x128x128xf32, #tpu.memory_space<hbm>> -> memref<128x128xf32, #tpu.memory_space<hbm>>
      tpu.wait_dma2 semaphore(%arg11 : memref<!tpu.dma_semaphore, #tpu.memory_space<semaphore_mem>>) src(%arg7 : memref<128x128xf32, #tpu.memory_space<vmem>>) dst(%dma_wait3A_318 : memref<128x128xf32, #tpu.memory_space<hbm>>)
      %scan3A_319 = arith.constant 0 : i32
      %scan3A_320 = arith.constant 128 : i32
      %scan3A_321 = arith.addi %scan3A_319, %scan3A_320 : i32
      %scan3A_322 = arith.constant 1 : i32
      %scan3A_323:8 = scf.for %scan3A_338 = %scan3A_319 to %scan3A_321 step %scan3A_322 iter_args(%scan3A_339 = %scan3A_292#0, %scan3A_340 = %scan3A_292#1, %scan3A_341 = %scan3A_292#2, %scan3A_342 = %scan3A_292#3, %scan3A_343 = %scan3A_292#4, %scan3A_344 = %scan3A_292#5, %scan3A_345 = %scan3A_292#6, %scan3A_346 = %scan3A_292#7) -> (vector<16xf32>, vector<16xf32>, vector<16xf32>, vector<16xf32>, vector<16xf32>, vector<16xf32>, vector<16xf32>, vector<16xf32>)  : i32 {
        %get3A = arith.index_cast %scan3A_338 : i32 to index
        %get3A_347 = arith.constant 0 : index
        %get3A_348 = tpu.vector_load %arg5[%get3A, %get3A_347] {strides = array<i32>} : memref<128x128xf32, #tpu.memory_space<vmem>>, vector<1x16xf32>,
        %get3A_349 = vector.shape_cast %get3A_348 : vector<1x16xf32> to vector<16xf32>
        %add3A_350 = arith.addf %scan3A_339, %get3A_349 : vector<16xf32>
        %swap3A = arith.index_cast %scan3A_338 : i32 to index
        %swap3A_351 = arith.constant 0 : index
        %swap3A_352 = tpu.vector_load %arg7[%swap3A, %swap3A_351] {strides = array<i32>} : memref<128x128xf32, #tpu.memory_space<vmem>>, vector<1x16xf32>,
        %swap3A_353 = vector.shape_cast %swap3A_352 : vector<1x16xf32> to vector<16xf32>
        %swap3A_354 = vector.shape_cast %add3A_350 : vector<16xf32> to vector<1x16xf32>
        tpu.vector_store %arg7[%swap3A, %swap3A_351], %swap3A_354 {strides = array<i32>} : memref<128x128xf32, #tpu.memory_space<vmem>>, vector<1x16xf32>,
        %get3A_355 = arith.index_cast %scan3A_338 : i32 to index
        %get3A_356 = arith.constant 16 : index
        %get3A_357 = tpu.vector_load %arg5[%get3A_355, %get3A_356] {strides = array<i32>} : memref<128x128xf32, #tpu.memory_space<vmem>>, vector<1x16xf32>,
        %get3A_358 = vector.shape_cast %get3A_357 : vector<1x16xf32> to vector<16xf32>
        %add3A_359 = arith.addf %scan3A_340, %get3A_358 : vector<16xf32>
        %swap3A_360 = arith.index_cast %scan3A_338 : i32 to index
        %swap3A_361 = arith.constant 16 : index
        %swap3A_362 = tpu.vector_load %arg7[%swap3A_360, %swap3A_361] {strides = array<i32>} : memref<128x128xf32, #tpu.memory_space<vmem>>, vector<1x16xf32>,
        %swap3A_363 = vector.shape_cast %swap3A_362 : vector<1x16xf32> to vector<16xf32>
        %swap3A_364 = vector.shape_cast %add3A_359 : vector<16xf32> to vector<1x16xf32>
        tpu.vector_store %arg7[%swap3A_360, %swap3A_361], %swap3A_364 {strides = array<i32>} : memref<128x128xf32, #tpu.memory_space<vmem>>, vector<1x16xf32>,
        %get3A_365 = arith.index_cast %scan3A_338 : i32 to index
        %get3A_366 = arith.constant 32 : index
        %get3A_367 = tpu.vector_load %arg5[%get3A_365, %get3A_366] {strides = array<i32>} : memref<128x128xf32, #tpu.memory_space<vmem>>, vector<1x16xf32>,
        %get3A_368 = vector.shape_cast %get3A_367 : vector<1x16xf32> to vector<16xf32>
        %add3A_369 = arith.addf %scan3A_341, %get3A_368 : vector<16xf32>
        %swap3A_370 = arith.index_cast %scan3A_338 : i32 to index
        %swap3A_371 = arith.constant 32 : index
        %swap3A_372 = tpu.vector_load %arg7[%swap3A_370, %swap3A_371] {strides = array<i32>} : memref<128x128xf32, #tpu.memory_space<vmem>>, vector<1x16xf32>,
        %swap3A_373 = vector.shape_cast %swap3A_372 : vector<1x16xf32> to vector<16xf32>
        %swap3A_374 = vector.shape_cast %add3A_369 : vector<16xf32> to vector<1x16xf32>
        tpu.vector_store %arg7[%swap3A_370, %swap3A_371], %swap3A_374 {strides = array<i32>} : memref<128x128xf32, #tpu.memory_space<vmem>>, vector<1x16xf32>,
        %get3A_375 = arith.index_cast %scan3A_338 : i32 to index
        %get3A_376 = arith.constant 48 : index
        %get3A_377 = tpu.vector_load %arg5[%get3A_375, %get3A_376] {strides = array<i32>} : memref<128x128xf32, #tpu.memory_space<vmem>>, vector<1x16xf32>,
        %get3A_378 = vector.shape_cast %get3A_377 : vector<1x16xf32> to vector<16xf32>
        %add3A_379 = arith.addf %scan3A_342, %get3A_378 : vector<16xf32>
        %swap3A_380 = arith.index_cast %scan3A_338 : i32 to index
        %swap3A_381 = arith.constant 48 : index
        %swap3A_382 = tpu.vector_load %arg7[%swap3A_380, %swap3A_381] {strides = array<i32>} : memref<128x128xf32, #tpu.memory_space<vmem>>, vector<1x16xf32>,
        %swap3A_383 = vector.shape_cast %swap3A_382 : vector<1x16xf32> to vector<16xf32>
        %swap3A_384 = vector.shape_cast %add3A_379 : vector<16xf32> to vector<1x16xf32>
        tpu.vector_store %arg7[%swap3A_380, %swap3A_381], %swap3A_384 {strides = array<i32>} : memref<128x128xf32, #tpu.memory_space<vmem>>, vector<1x16xf32>,
        %get3A_385 = arith.index_cast %scan3A_338 : i32 to index
        %get3A_386 = arith.constant 64 : index
        %get3A_387 = tpu.vector_load %arg5[%get3A_385, %get3A_386] {strides = array<i32>} : memref<128x128xf32, #tpu.memory_space<vmem>>, vector<1x16xf32>,
        %get3A_388 = vector.shape_cast %get3A_387 : vector<1x16xf32> to vector<16xf32>
        %add3A_389 = arith.addf %scan3A_343, %get3A_388 : vector<16xf32>
        %swap3A_390 = arith.index_cast %scan3A_338 : i32 to index
        %swap3A_391 = arith.constant 64 : index
        %swap3A_392 = tpu.vector_load %arg7[%swap3A_390, %swap3A_391] {strides = array<i32>} : memref<128x128xf32, #tpu.memory_space<vmem>>, vector<1x16xf32>,
        %swap3A_393 = vector.shape_cast %swap3A_392 : vector<1x16xf32> to vector<16xf32>
        %swap3A_394 = vector.shape_cast %add3A_389 : vector<16xf32> to vector<1x16xf32>
        tpu.vector_store %arg7[%swap3A_390, %swap3A_391], %swap3A_394 {strides = array<i32>} : memref<128x128xf32, #tpu.memory_space<vmem>>, vector<1x16xf32>,
        %get3A_395 = arith.index_cast %scan3A_338 : i32 to index
        %get3A_396 = arith.constant 80 : index
        %get3A_397 = tpu.vector_load %arg5[%get3A_395, %get3A_396] {strides = array<i32>} : memref<128x128xf32, #tpu.memory_space<vmem>>, vector<1x16xf32>,
        %get3A_398 = vector.shape_cast %get3A_397 : vector<1x16xf32> to vector<16xf32>
        %add3A_399 = arith.addf %scan3A_344, %get3A_398 : vector<16xf32>
        %swap3A_400 = arith.index_cast %scan3A_338 : i32 to index
        %swap3A_401 = arith.constant 80 : index
        %swap3A_402 = tpu.vector_load %arg7[%swap3A_400, %swap3A_401] {strides = array<i32>} : memref<128x128xf32, #tpu.memory_space<vmem>>, vector<1x16xf32>,
        %swap3A_403 = vector.shape_cast %swap3A_402 : vector<1x16xf32> to vector<16xf32>
        %swap3A_404 = vector.shape_cast %add3A_399 : vector<16xf32> to vector<1x16xf32>
        tpu.vector_store %arg7[%swap3A_400, %swap3A_401], %swap3A_404 {strides = array<i32>} : memref<128x128xf32, #tpu.memory_space<vmem>>, vector<1x16xf32>,
        %get3A_405 = arith.index_cast %scan3A_338 : i32 to index
        %get3A_406 = arith.constant 96 : index
        %get3A_407 = tpu.vector_load %arg5[%get3A_405, %get3A_406] {strides = array<i32>} : memref<128x128xf32, #tpu.memory_space<vmem>>, vector<1x16xf32>,
        %get3A_408 = vector.shape_cast %get3A_407 : vector<1x16xf32> to vector<16xf32>
        %add3A_409 = arith.addf %scan3A_345, %get3A_408 : vector<16xf32>
        %swap3A_410 = arith.index_cast %scan3A_338 : i32 to index
        %swap3A_411 = arith.constant 96 : index
        %swap3A_412 = tpu.vector_load %arg7[%swap3A_410, %swap3A_411] {strides = array<i32>} : memref<128x128xf32, #tpu.memory_space<vmem>>, vector<1x16xf32>,
        %swap3A_413 = vector.shape_cast %swap3A_412 : vector<1x16xf32> to vector<16xf32>
        %swap3A_414 = vector.shape_cast %add3A_409 : vector<16xf32> to vector<1x16xf32>
        tpu.vector_store %arg7[%swap3A_410, %swap3A_411], %swap3A_414 {strides = array<i32>} : memref<128x128xf32, #tpu.memory_space<vmem>>, vector<1x16xf32>,
        %get3A_415 = arith.index_cast %scan3A_338 : i32 to index
        %get3A_416 = arith.constant 112 : index
        %get3A_417 = tpu.vector_load %arg5[%get3A_415, %get3A_416] {strides = array<i32>} : memref<128x128xf32, #tpu.memory_space<vmem>>, vector<1x16xf32>,
        %get3A_418 = vector.shape_cast %get3A_417 : vector<1x16xf32> to vector<16xf32>
        %add3A_419 = arith.addf %scan3A_346, %get3A_418 : vector<16xf32>
        %swap3A_420 = arith.index_cast %scan3A_338 : i32 to index
        %swap3A_421 = arith.constant 112 : index
        %swap3A_422 = tpu.vector_load %arg7[%swap3A_420, %swap3A_421] {strides = array<i32>} : memref<128x128xf32, #tpu.memory_space<vmem>>, vector<1x16xf32>,
        %swap3A_423 = vector.shape_cast %swap3A_422 : vector<1x16xf32> to vector<16xf32>
        %swap3A_424 = vector.shape_cast %add3A_419 : vector<16xf32> to vector<1x16xf32>
        tpu.vector_store %arg7[%swap3A_420, %swap3A_421], %swap3A_424 {strides = array<i32>} : memref<128x128xf32, #tpu.memory_space<vmem>>, vector<1x16xf32>,
        scf.yield %add3A_350, %add3A_359, %add3A_369, %add3A_379, %add3A_389, %add3A_399, %add3A_409, %add3A_419 : vector<16xf32>, vector<16xf32>, vector<16xf32>, vector<16xf32>, vector<16xf32>, vector<16xf32>, vector<16xf32>, vector<16xf32>
      }
      %scan3A_324 = arith.constant 128 : i32
      %add3A_325 = arith.constant 2 : i32
      %add3A_326 = arith.addi %add3A_306, %add3A_325 : i32
      %lt3A_327 = arith.constant 32 : i32
      %lt3A_328 = arith.cmpi slt, %add3A_326, %lt3A_327 : i32
      %convert_element_type3A_329 = arith.extui %lt3A_328 : i1 to i32
      %cond3A_330 = arith.constant 0 : i32
      %cond3A_331 = arith.cmpi ne, %convert_element_type3A_329, %cond3A_330 : i32
      scf.if %cond3A_331 {
        %add3A_338 = arith.constant 2 : i32
        %add3A_339 = arith.addi %add3A_306, %add3A_338 : i32
        %mul3A_340 = arith.constant 128 : i32
        %mul3A_341 = arith.muli %add3A_339, %mul3A_340 : i32
        %dma_start3A_342 = tpu.memref_slice %arg2[%select_n3A_150, %mul3A_341, %mul3A_168] : memref<4x4096x2048xf32, #tpu.memory_space<hbm>> -> memref<1x128x128xf32, #tpu.memory_space<hbm>>
        %dma_start3A_343 = tpu.memref_squeeze %dma_start3A_342 : memref<1x128x128xf32, #tpu.memory_space<hbm>> -> memref<128x128xf32, #tpu.memory_space<hbm>>
        %dma_start3A_344 = tpu.memref_slice %arg2[%select_n3A_150, %mul3A_341, %mul3A_168] : memref<4x4096x2048xf32, #tpu.memory_space<hbm>> -> memref<1x128x128xf32, #tpu.memory_space<hbm>>
        %dma_start3A_345 = tpu.memref_squeeze %dma_start3A_344 : memref<1x128x128xf32, #tpu.memory_space<hbm>> -> memref<128x128xf32, #tpu.memory_space<hbm>>
        tpu.enqueue_dma source(%dma_start3A_345 : memref<128x128xf32, #tpu.memory_space<hbm>>) target(%arg5 : memref<128x128xf32, #tpu.memory_space<vmem>>) target_semaphore(%arg9 : memref<!tpu.dma_semaphore, #tpu.memory_space<semaphore_mem>>)
      } else {
      }
      %mul3A_332 = arith.constant 128 : i32
      %mul3A_333 = arith.muli %add3A_306, %mul3A_332 : i32
      %dma_start3A_334 = tpu.memref_slice %arg3[%select_n3A_150, %mul3A_333, %mul3A_168] : memref<4x4096x2048xf32, #tpu.memory_space<hbm>> -> memref<1x128x128xf32, #tpu.memory_space<hbm>>
      %dma_start3A_335 = tpu.memref_squeeze %dma_start3A_334 : memref<1x128x128xf32, #tpu.memory_space<hbm>> -> memref<128x128xf32, #tpu.memory_space<hbm>>
      %dma_start3A_336 = tpu.memref_slice %arg3[%select_n3A_150, %mul3A_333, %mul3A_168] : memref<4x4096x2048xf32, #tpu.memory_space<hbm>> -> memref<1x128x128xf32, #tpu.memory_space<hbm>>
      %dma_start3A_337 = tpu.memref_squeeze %dma_start3A_336 : memref<1x128x128xf32, #tpu.memory_space<hbm>> -> memref<128x128xf32, #tpu.memory_space<hbm>>
      tpu.enqueue_dma source(%arg7 : memref<128x128xf32, #tpu.memory_space<vmem>>) target(%dma_start3A_337 : memref<128x128xf32, #tpu.memory_space<hbm>>) target_semaphore(%arg11 : memref<!tpu.dma_semaphore, #tpu.memory_space<semaphore_mem>>)
      scf.yield %scan3A_323#0, %scan3A_323#1, %scan3A_323#2, %scan3A_323#3, %scan3A_323#4, %scan3A_323#5, %scan3A_323#6, %scan3A_323#7 : vector<16xf32>, vector<16xf32>, vector<16xf32>, vector<16xf32>, vector<16xf32>, vector<16xf32>, vector<16xf32>, vector<16xf32>
    }
    %scan3A_250 = arith.constant 15 : i32
    %dma_wait3A_251 = arith.constant 3840 : i32
    %dma_wait3A_252 = tpu.memref_slice %arg3[%select_n3A_150, %dma_wait3A_251, %mul3A_168] : memref<4x4096x2048xf32, #tpu.memory_space<hbm>> -> memref<1x128x128xf32, #tpu.memory_space<hbm>>
    %dma_wait3A_253 = tpu.memref_squeeze %dma_wait3A_252 : memref<1x128x128xf32, #tpu.memory_space<hbm>> -> memref<128x128xf32, #tpu.memory_space<hbm>>
    %dma_wait3A_254 = arith.constant 3840 : i32
    %dma_wait3A_255 = tpu.memref_slice %arg3[%select_n3A_150, %dma_wait3A_254, %mul3A_168] : memref<4x4096x2048xf32, #tpu.memory_space<hbm>> -> memref<1x128x128xf32, #tpu.memory_space<hbm>>
    %dma_wait3A_256 = tpu.memref_squeeze %dma_wait3A_255 : memref<1x128x128xf32, #tpu.memory_space<hbm>> -> memref<128x128xf32, #tpu.memory_space<hbm>>
    tpu.wait_dma2 semaphore(%arg10 : memref<!tpu.dma_semaphore, #tpu.memory_space<semaphore_mem>>) src(%arg6 : memref<128x128xf32, #tpu.memory_space<vmem>>) dst(%dma_wait3A_256 : memref<128x128xf32, #tpu.memory_space<hbm>>)
    %dma_wait3A_257 = arith.constant 3968 : i32
    %dma_wait3A_258 = tpu.memref_slice %arg3[%select_n3A_150, %dma_wait3A_257, %mul3A_168] : memref<4x4096x2048xf32, #tpu.memory_space<hbm>> -> memref<1x128x128xf32, #tpu.memory_space<hbm>>
    %dma_wait3A_259 = tpu.memref_squeeze %dma_wait3A_258 : memref<1x128x128xf32, #tpu.memory_space<hbm>> -> memref<128x128xf32, #tpu.memory_space<hbm>>
    %dma_wait3A_260 = arith.constant 3968 : i32
    %dma_wait3A_261 = tpu.memref_slice %arg3[%select_n3A_150, %dma_wait3A_260, %mul3A_168] : memref<4x4096x2048xf32, #tpu.memory_space<hbm>> -> memref<1x128x128xf32, #tpu.memory_space<hbm>>
    %dma_wait3A_262 = tpu.memref_squeeze %dma_wait3A_261 : memref<1x128x128xf32, #tpu.memory_space<hbm>> -> memref<128x128xf32, #tpu.memory_space<hbm>>
    tpu.wait_dma2 semaphore(%arg11 : memref<!tpu.dma_semaphore, #tpu.memory_space<semaphore_mem>>) src(%arg7 : memref<128x128xf32, #tpu.memory_space<vmem>>) dst(%dma_wait3A_262 : memref<128x128xf32, #tpu.memory_space<hbm>>)
    return
  }
}

</mosaic_0001>

<sc_bundles>
// kernel: kernel.3.cloned.1.call-start
scs
__scs_entry_jumppad:
0x0: {  	(pc) =	sbr.rel $0x88, $3  }
0x1: {  	(tag) =	ssettag $0x0;
	lr =	simm.s32 $0x1  }
0x2: {  	[smem:$0x3FA0] =	sst lr;
	_ =	strace $0xD0000000  }
0x3: {  	_ = 	snop  }
0x4: {  	_ = 	snop  }
0x5: {  	_ = 	snop  }
0x6: {  	_ = 	snop  }
0x7: {  	_ = 	snop  }
__scs_overlays_trampoline_lowered:
0x8: {  	[smem:$0x3FAF] =	sst s0  }
0x9: {  	[smem:$0x3FB0] =	sst s1  }
0xa: {  	[smem:$0x3FB1] =	sst s2  }
0xb: {  	[smem:$0x3FB2] =	sst s3  }
0xc: {  	[smem:$0x3FB3] =	sst s4  }
0xd: {  	[smem:$0x3FB4] =	sst s5  }
0xe: {  	[smem:$0x3FB5] =	sst s6  }
0xf: {  	[smem:$0x3FB6] =	sst s7  }
0x10: {  	[smem:$0x3FB7] =	sst s8  }
0x11: {  	[smem:$0x3FB8] =	sst s9;
	s0 =	simm.s32 @!p0 $0x0  }
0x12: {  	s1 =	sld [smem:$0x3F9E];
	s0 =	simm.s32 @p0 $0x1  }
0x13: {  	[smem:$0x3FB9] =	sst s0;
	s0 =	simm.s32 @!p1 $0x0  }
0x14: {  	s2 =	sld [smem:$0x3F9D];
	s0 =	simm.s32 @p1 $0x1  }
0x15: {  	[smem:$0x3FBA] =	sst s0;
	s0 =	simm.s32 @!p2 $0x0  }
0x16: {  	s3 =	sld [smem:$0x3FDB];
	s0 =	simm.s32 @p2 $0x1  }
0x17: {  	s4 =	simm.s32 $0x1BF5;
	[smem:$0x3FBC] =	sst s0  }
0x18: {  	s0 =	sld [smem:$0x3F9F];
	_ =	swait.ge [sflag:s4], $0x0  }
0x19: {  	s7 =	sld [smem:$0x3FA0]  }
0x1a: {  	s8 =	sadd.s32 $0xFFFFE003, lr  }
0x1b: {  	s9 =	sadd.s32 $0xFFFFFEF7, lr;
	s5 =	simm.s32 $0xFFFFFFFF;
	p2 =	slt.u32 s8, $0xFFFFF086  }
0x1c: {  	p1 =	slt.u32 s9, $0xF7A;
	s5 =	simm.s32 @!p2 $0x0  }
0x1d: {  	s5 =	simm.s32 @p1 $0x1;
	p0 =	seq.s32 s7, s2  }
0x1e: {  	s7 =	smul.u32 @!p0 $0xF7A, s2;
	p2 =	seq.s32 @!p0 s5, $0x0  }
0x1f: {  	s9 =	smul.u32 $0xF7A, s1;
	s8 =	simm.s32 @!p0 $0x1BF5;
	p2 =	por !p2, p0  }
0x20: {  	[sflag:s8] =	ssyncset.s32 @!p0 $0xFFFFF086;
	s6 =	sadd.s32 @!p0 s3, s7;
	s7 =	simm.s32 @!p0 $0x108  }
0x21: {  	s3 =	sadd.s32 s3, s9;
	s6 =	sadd.s32 @!p0 $0x88, s6;
	s7 =	simm.s32 @p2 $0x1082  }
0x22: {  	[simem:s7], [sflag:s8] =	dma.local @!p0 [hbm:s6], $0xF7A  }
0x23: {  	s9 =	sor.u32 $0xD0000000, s2;
	s6 =	simm.s32 $0x108;
	_ =	swait.ge @!p0 [sflag:s8], $0x0  }
0x24: {  	s3 =	sadd.s32 $0x88, s3;
	s6 =	simm.s32 @!p1 $0x1082;
	[sflag:s4] =	ssyncset.s32 $0xFFFFF086  }
0x25: {  	[simem:s6], [sflag:s4] =	dma.local [hbm:s3], $0xF7A  }
0x26: {  	[smem:$0x3FA0] =	sst s1;
	(tag) =	ssettag s2;
	_ =	strace s9  }
0x27: {  	s1 =	sld [smem:$0x3FB0]  }
0x28: {  	s2 =	sld [smem:$0x3FB1]  }
0x29: {  	s4 =	sld [smem:$0x3FB3]  }
0x2a: {  	p0 =	seq.s32 s5, $0x0;
	s5 =	sld [smem:$0x3FB4]  }
0x2b: {  	s6 =	sld [smem:$0x3FB5]  }
0x2c: {  	s7 =	sld [smem:$0x3FB6]  }
0x2d: {  	s3 =	simm.s32 $0x108;
	s8 =	sld [smem:$0x3FB7]  }
0x2e: {  	s3 =	simm.s32 @!p0 $0x1082;
	s9 =	sld [smem:$0x3FB8]  }
0x2f: {  	lr =	sadd.s32 s0, s3;
	s0 =	sld [smem:$0x3FAF]  }
0x30: {  	s3 =	sld [smem:$0x3FB2]  }
0x31: {  	[smem:$0x3FBB] =	sst s10  }
0x32: {  	s10 =	sld [smem:$0x3FB9];
	_ =	sdelay $0x3  }
0x33: {  	p0 =	seq.s32 s10, $0x1;
	s10 =	sld [smem:$0x3FBB];
	_ =	sdelay $0x3  }
0x34: {  	[smem:$0x3FBB] =	sst s10  }
0x35: {  	s10 =	sld [smem:$0x3FBA];
	_ =	sdelay $0x3  }
0x36: {  	p1 =	seq.s32 s10, $0x1;
	s10 =	sld [smem:$0x3FBB];
	_ =	sdelay $0x3  }
0x37: {  	[smem:$0x3FBB] =	sst s10  }
0x38: {  	s10 =	sld [smem:$0x3FBC]  }
0x39: {  	_ = 	snop;
	(pc) =	sbr.ind lr, $3  }
0x3a: {  	_ = 	snop  }
0x3b: {  	_ = 	snop  }
0x3c: {  	p2 =	seq.s32 s10, $0x1;
	s10 =	sld [smem:$0x3FBB]  }
0x3d: {  	_ =	shalt  }
0x3e: {  	_ =	shalt  }
0x3f: {  	_ =	shalt  }
0x40: {  	_ =	shalt  }
0x41: {  	_ =	shalt  }
0x42: {  	_ =	shalt  }
0x43: {  	_ =	shalt  }
0x44: {  	_ =	shalt  }
0x45: {  	_ =	shalt  }
0x46: {  	_ =	shalt  }
0x47: {  	_ =	shalt  }
0x48: {  	_ =	shalt  }
0x49: {  	_ =	shalt  }
0x4a: {  	_ =	shalt  }
0x4b: {  	_ =	shalt  }
0x4c: {  	_ =	shalt  }
0x4d: {  	_ =	shalt  }
0x4e: {  	_ =	shalt  }
0x4f: {  	_ =	shalt  }
0x50: {  	_ =	shalt  }
0x51: {  	_ =	shalt  }
0x52: {  	_ =	shalt  }
0x53: {  	_ =	shalt  }
0x54: {  	_ =	shalt  }
0x55: {  	_ =	shalt  }
0x56: {  	_ =	shalt  }
0x57: {  	_ =	shalt  }
0x58: {  	_ =	shalt  }
0x59: {  	_ =	shalt  }
0x5a: {  	_ =	shalt  }
0x5b: {  	_ =	shalt  }
0x5c: {  	_ =	shalt  }
0x5d: {  	_ =	shalt  }
0x5e: {  	_ =	shalt  }
0x5f: {  	_ =	shalt  }
0x60: {  	_ =	shalt  }
0x61: {  	_ =	shalt  }
0x62: {  	_ =	shalt  }
0x63: {  	_ =	shalt  }
0x64: {  	_ =	shalt  }
0x65: {  	_ =	shalt  }
0x66: {  	_ =	shalt  }
0x67: {  	_ =	shalt  }
0x68: {  	_ =	shalt  }
0x69: {  	_ =	shalt  }
0x6a: {  	_ =	shalt  }
0x6b: {  	_ =	shalt  }
0x6c: {  	_ =	shalt  }
0x6d: {  	_ =	shalt  }
0x6e: {  	_ =	shalt  }
0x6f: {  	_ =	shalt  }
0x70: {  	_ =	shalt  }
0x71: {  	_ =	shalt  }
0x72: {  	_ =	shalt  }
0x73: {  	_ =	shalt  }
0x74: {  	_ =	shalt  }
0x75: {  	_ =	shalt  }
0x76: {  	_ =	shalt  }
0x77: {  	_ =	shalt  }
0x78: {  	_ =	shalt  }
0x79: {  	_ =	shalt  }
0x7a: {  	_ =	shalt  }
0x7b: {  	_ =	shalt  }
0x7c: {  	_ =	shalt  }
0x7d: {  	_ =	shalt  }
0x7e: {  	_ =	shalt  }
0x7f: {  	_ =	shalt  }
0x80: {  	_ =	shalt  }
0x81: {  	_ =	shalt  }
0x82: {  	_ =	shalt  }
0x83: {  	_ =	shalt  }
0x84: {  	_ =	shalt  }
0x85: {  	_ =	shalt  }
0x86: {  	_ =	shalt  }
0x87: {  	_ =	shalt  }
.Lfunc_end0:
.L_simem_size_0:
called_computation_lowered:
.L_overlay_start_0:
0x88: {  	s2 =	sld [smem:$0x3FD9]  }
0x89: {  	s3 =	sld [smem:$0x3FFE];
	_ =	sdelay $0x1  }
0x8a: {  	s1 =	srdreg.scid  }
0x8b: {  	s0 =	sand.u32 $0x1, s1  }
0x8c: {  	s18 =	sshll.u32 s0, $0xA;
	s2 =	sadd.s32 s3, s2  }
0x8d: {  	s2 =	sadd.s32 s2, s18  }
0x8e: {  	[smem:$0x3FC7] =	sst s2  }
0x8f: {  	_ = 	snop  }
0x90: {  	s2 =	sld [smem:$0x3FC9]  }
0x91: {  	s19 =	sld [smem:$0x3FD0];
	(tm) =	ssettm $0x1  }
0x92: {  	s4 =	sld [smem:$0x3FFB];
	_ =	sdelay $0x3  }
0x93: {  	_ =	strace s4  }
0x94: {  	s4 =	sld [smem:$0x3FFC];
	_ =	sdelay $0x3  }
0x95: {  	_ =	strace s4  }
0x96: {  	s4 =	sld [smem:$0x3FFD];
	_ =	sdelay $0x3  }
0x97: {  	_ =	strace s4  }
0x98: {  	_ =	strace $0x8FFFFFFF  }
0x99: {  	s20 =	sld [smem:$0x3FDB];
	_ =	sdelay $0x1  }
0x9a: {  	s5 =	simm.s32 $_scs_section_size  }
0x9b: {  	s6 =	simm.s32 $_size__tile_overlayer_lowered;
	s7 =	simm.s32 $_tile_overlayer_lowered  }
0x9c: {  	s23 =	simm.s32 $0x1BFF;
	s22 =	sshll.u32 s7, $0x1;
	s4 =	sadd.s32 s5, s20  }
0x9d: {  	s8 =	simm.s32 $0x0;
	s21 =	sshll.u32 s6, $0x1;
	s6 =	sadd.s32 s22, s4  }
0x9e: {  	[timem:s8], [sflag:s23] =	dma.local [hbm:s6], s21  }
0x9f: {  	_ =	swait.ge [sflag:s23], s21  }
0xa0: {  	s5 =	ssub.s32 $0x0, s21;
	[sflag:s23] =	ssyncset.done $0x0  }
0xa1: {  	[sflag:s23] =	ssyncadd.s32 s5;
	_ =	sdelay $0x1  }
0xa2: {  	s24 =	simm.s32 $0x1B8B  }
0xa3: {  	_ =	swait.ge [sflag:s24], $0x1  }
0xa4: {  	[sflag:s24] =	ssyncset.done $0x0  }
0xa5: {  	s25 =	simm.s32 $0x1B8E;
	[sflag:s24] =	ssyncadd.s32 $0xFFFFFFFF  }
0xa6: {  	s26 =	simm.s32 $execute0_lowered;
	[smem:$0x3FD2] =	sst s25  }
0xa7: {  	s5 =	sshll.u32 s26, $0x1;
	_ =	strace $0x80000046;
	[dreg:$0x1] =	wrdreg $0xFFFFFFFF  }
0xa8: {  	s28 =	simm.s32 $_size_execute0_lowered;
	s4 =	sadd.s32 s4, s5;
	[dreg:$0x0] =	wrdreg $0x0  }
0xa9: {  	s5 =	sshll.u32 s28, $0x1;
	[dreg:$0x2] =	wrdreg s4  }
0xaa: {  	[dreg:$0x3] =	wrdreg s5  }
0xab: {  	[dreg:$0x4] =	wrdreg $0xC0  }
0xac: {  	_ =	task [dreg:s8], $0x5FFFF  }
0xad: {  	[dreg:$0x1] =	wrdreg $0xFFFFFFFF  }
0xae: {  	[dreg:$0x0] =	wrdreg $0x60  }
0xaf: {  	[dreg:$0x2] =	wrdreg s2  }
0xb0: {  	[dreg:$0x3] =	wrdreg s19  }
0xb1: {  	[dreg:$0x4] =	wrdreg $0x9  }
0xb2: {  	_ =	task.clear_ibuf [dreg:s8], $0x5FFFF;
	_ =	strace $0x90000046  }
0xb3: {  	s29 =	simm.s32 $0x9;
	_ =	strace $0x80000048  }
0xb4: {  	_ =	swait.ge [sflag:s29], $0x1  }
0xb5: {  	[sflag:s29] =	ssyncadd.s32 $0xFFFFFFFF  }
0xb6: {  	_ =	strace $0x90000048  }
0xb7: {  	_ =	sfence  }
0xb8: {  	s30 =	sld [smem:$0x0];
	_ =	sdelay $0x2  }
0xb9: {  	s31 =	sshll.u32 s1, $0xD;
	s1 =	sshrl.u32 s1, $0x2  }
0xba: {  	s3 =	sand.u32 $0x4000, s31;
	s1 =	sadd.s32 s1, s30  }
0xbb: {  	s0 =	sor.u32 s3, s0;
	s1 =	sshll.u32 s1, $0x11  }
0xbc: {  	s0 =	sor.u32 s1, s0  }
0xbd: {  	s0 =	sadd.s32 $0x8F2B, s0  }
0xbe: {  	[sflag:s0] =	ssyncadd.remote.s32 $0x1  }
0xbf: {  	_ =	sfence.sel $0xFFFF  }
0xc0: {  	[dreg:$0x0] =	wrdreg $0xFFFFFFFF;
	(pc) =	sbr.abs _section_cstart, $3  }
0xc1: {  	[dreg:$0x1] =	wrdreg $0xFFFFFFFF  }
0xc2: {  	_ =	task.clear_ibuf [dreg:s8], $0x2FFFF;
	_ =	strace $0x9FFFFFFF  }
0xc3: {  	(tm) =	ssettm $0x7FFFFFFF  }
tec
execute0_lowered:
.L_overlay_start_1:
0x0: {  	(tag) =	ssettag $0x1  }
0x1: {  	s0 =	srdreg.scid  }
0x2: {  	s3 =	stileid.u32;
	s2 =	rddreg [dreg:$0x1];
	s0 =	sand.u32 $0x1, s0  }
0x3: {  	s4 =	simm.s32 $0x1;
	s5 =	simm.s32 $0x0;
	s1 =	sor.u32 s3, s0  }
0x4: {  	s28 =	simm.s32 $0x2;
	p0 =	sne.s32 s3, $0x0;
	p1 =	seq.s32 s1, $0x0  }
0x5: {  	s29 =	simm.s32 $0xC000;
	s30 =	simm.s32 $0x3;
	p1 =	por !p0, !p1  }
0x6: {  	s31 =	simm.s32 $0x4;
	[smem:$0x7FF] =	sst s5;
	p1 =	por !p1, !p1  }
0x7: {  	s5 =	simm.s32 $0x1;
	s20 =	ssub.s32 $0x2, s0;
	s4 =	simm.s32 @!p1 $0x0  }
0x8: {  	s3 =	sshll.u32 s3, $0xA;
	s1 =	rddreg [dreg:$0x0];
	s4 =	ssub.s32 s0, s4  }
0x9: {  	_ =	strace $0x80000047;
	s6 =	sshrl.u32 s20, $0x1;
	s4 =	sshll.u32 s4, $0x17  }
0xa: {  	s6 =	ssub.s32 s20, s6;
	s10 =	sadd.s32 $0x10000, s1;
	s4 =	sor.u32 s3, s4  }
0xb: {  	s23 =	sadd.s32 $0x18000, s1;
	s0 =	sshll.u32 s0, $0x17;
	s7 =	sshrl.u32 s4, $0x3  }
0xc: {  	s0 =	sor.u32 s3, s0;
	s13 =	sor.u32 $0x80000, s4;
	s8 =	sadd.s32 s1, s7  }
0xd: {  	s14 =	sor.u32 $0xC0000, s4;
	s22 =	sadd.s32 s7, s10;
	[dreg:$0x3] =	wrdreg s8  }
0xe: {  	s21 =	sor.u32 $0x8000, s7;
	s11 =	sadd.s32 s2, s7;
	[dreg:$0x5] =	wrdreg s22  }
0xf: {  	s7 =	sadd.s32 s7, s23;
	s9 =	sadd.s32 s1, s21;
	[dreg:$0x6] =	wrdreg s11  }
0x10: {  	[dreg:$0x7] =	wrdreg s7;
	s8 =	sadd.s32 s2, s21;
	s21 =	sor.u32 $0x1080000, s0  }
0x11: {  	s22 =	sor.u32 $0x10C0000, s0;
	[dreg:$0x4] =	wrdreg s9;
	s9 =	sor.u32 $0x1000000, s0  }
0x12: {  	[dreg:$0x8] =	wrdreg s8;
	s0 =	simm.s32 $0x0;
	s24 =	sshrl.u32 s9, $0x3  }
0x13: {  	s25 =	sor.u32 $0x8000, s24;
	s26 =	sadd.s32 s1, s24;
	s17 =	sadd.s32 s24, s10  }
0x14: {  	s18 =	sadd.s32 s2, s24;
	s19 =	sadd.s32 s24, s23;
	s23 =	smax.u32 s6, $0x1  }
0x15: {  	s24 =	simm.s32 $0x400;
	[dreg:$0x9] =	wrdreg s26;
	s16 =	sadd.s32 s1, s25  }
0x16: {  	s20 =	sadd.s32 s2, s25;
	s25 =	simm.s32 $0x4000;
	s26 =	simm.s32 $0x8000  }
.LBB2_1:
0x17: {  	s3 =	simm.s32 $0x0;
	s6 =	rddreg [dreg:$0x3]  }
0x18: {  	[tilespmem:s3], [sflag:$0x1] =	stream.strided.gather [hbm4b:s6+s24], $0x4000, s25, s24, $0x38;
	[tilespmem:$0x10000] =	vst v63  }
0x19: {  	s15 =	rddreg [dreg:$0x4]  }
0x1a: {  	[tilespmem:s25], [sflag:$0x2] =	stream.strided.gather [hbm4b:s15+s24], $0x4000, s25, s24, $0x38;
	[tilespmem:$0x10000] =	vst v63  }
0x1b: {  	_ =	swait.ge [sflag:s5], $0x4000  }
0x1c: {  	[sflag:s5] =	ssyncset.done $0x0  }
0x1d: {  	s6 =	simm.s32 $0x0;
	[sflag:s5] =	ssyncadd.s32 $0xFFFFC000  }
0x1e: {  	v0 =	vld [tilespmem:s6+$0x70]  }
0x1f: {  	v1 =	vld [tilespmem:s6+$0x0]  }
0x20: {  	v4 =	vld [tilespmem:s6+$0x10]  }
0x21: {  	v11 =	vld [tilespmem:s6+$0x20]  }
0x22: {  	v3 =	vimm.f32 $0.0e+00;
	v10 =	vld [tilespmem:s6+$0x30]  }
0x23: {  	v8 =	vld [tilespmem:s6+$0x40];
	v2 =	vadd.f32 v0, v3  }
0x24: {  	v6 =	vimm.f32 $0.0e+00;
	v7 =	vimm.f32 $0.0e+00;
	v9 =	vld [tilespmem:s6+$0x50];
	v1 =	vadd.f32 v1, v3  }
0x25: {  	s7 =	simm.s32 $0x400;
	v5 =	vimm.f32 $0.0e+00;
	s3 =	simm.s32 $0x80;
	v12 =	vld [tilespmem:s6+$0x60];
	v0 =	vadd.f32 v4, v3;
	v4 =	vimm.f32 $0.0e+00;
	[tilespmem:s6+$0x8070] =	vst v2  }
.LBB2_2:
0x26: {  	p1 =	sne.s32 s7, $0xFE00;
	v13 =	vld [tilespmem:s3+$0x70];
	[tilespmem:s6+$0x8000] =	vst v1;
	v3 =	vadd.f32 v11, v3  }
0x27: {  	v14 =	vld [tilespmem:s3+$0x0];
	[tilespmem:s6+$0x8010] =	vst v0;
	v6 =	vadd.f32 v10, v6  }
0x28: {  	v15 =	vld [tilespmem:s3+$0x10];
	[tilespmem:s6+$0x8020] =	vst v3;
	v7 =	vadd.f32 v8, v7  }
.Ltmp0:
0x29: {  	v11 =	vld [tilespmem:s3+$0x20];
	[tilespmem:s6+$0x8030] =	vst v6;
	v5 =	vadd.f32 v9, v5;
	(pc) =	sbr.rel @p1 .LBB2_2-.Ltmp0, $4  }
0x2a: {  	v10 =	vld [tilespmem:s3+$0x30];
	[tilespmem:s6+$0x8040] =	vst v7;
	v4 =	vadd.f32 v12, v4  }
0x2b: {  	v8 =	vld [tilespmem:s3+$0x40];
	v2 =	vadd.f32 v13, v2;
	[tilespmem:s6+$0x8050] =	vst v5  }
0x2c: {  	v1 =	vadd.f32 v14, v1;
	v9 =	vld [tilespmem:s3+$0x50];
	[tilespmem:s6+$0x8060] =	vst v4;
	s6 =	smov.u32 s3  }
0x2d: {  	s3 =	sshra.s32 s7, $0x2;
	s7 =	sadd.s32 $0x200, s7;
	v0 =	vadd.f32 v15, v0;
	v12 =	vld [tilespmem:s6+$0x60];
	[tilespmem:s6+$0x8070] =	vst v2  }
0x2e: {  	v13 =	vld [tilespmem:s3+$0x70];
	[tilespmem:s6+$0x8000] =	vst v1;
	v3 =	vadd.f32 v11, v3  }
0x2f: {  	v14 =	vld [tilespmem:s3+$0x0];
	[tilespmem:s6+$0x8010] =	vst v0;
	v6 =	vadd.f32 v10, v6  }
0x30: {  	v11 =	vld [tilespmem:s3+$0x10];
	[tilespmem:s6+$0x8020] =	vst v3;
	v7 =	vadd.f32 v8, v7  }
0x31: {  	v10 =	vld [tilespmem:s3+$0x20];
	[tilespmem:s6+$0x8030] =	vst v6;
	v5 =	vadd.f32 v9, v5  }
0x32: {  	v8 =	vld [tilespmem:s3+$0x30];
	[tilespmem:s6+$0x8040] =	vst v7;
	v12 =	vadd.f32 v12, v4  }
0x33: {  	v9 =	vld [tilespmem:s3+$0x40];
	[tilespmem:s6+$0x8050] =	vst v5;
	v13 =	vadd.f32 v13, v2  }
0x34: {  	v15 =	vld [tilespmem:s3+$0x50];
	[tilespmem:s6+$0x8060] =	vst v12;
	v14 =	vadd.f32 v14, v1  }
0x35: {  	v16 =	vld [tilespmem:s3+$0x60];
	v17 =	vadd.f32 v11, v0;
	[tilespmem:s3+$0x8070] =	vst v13  }
0x36: {  	[tilespmem:s3+$0x8000] =	vst v14;
	v4 =	vadd.f32 v10, v3  }
0x37: {  	[tilespmem:s3+$0x8010] =	vst v17;
	v3 =	vadd.f32 v8, v6  }
0x38: {  	[tilespmem:s3+$0x8020] =	vst v4;
	v2 =	vadd.f32 v9, v7  }
0x39: {  	[tilespmem:s3+$0x8030] =	vst v3;
	v1 =	vadd.f32 v15, v5  }
0x3a: {  	[tilespmem:s3+$0x8040] =	vst v2;
	v0 =	vadd.f32 v16, v12  }
0x3b: {  	[tilespmem:s3+$0x8050] =	vst v1  }
0x3c: {  	s11 =	simm.s32 $0x0;
	s12 =	rddreg [dreg:$0x5];
	[tilespmem:s3+$0x8060] =	vst v0  }
0x3d: {  	[tilespmem:s11], [sflag:$0x1] =	stream.strided.gather [hbm4b:s12+s24], $0x4000, s25, s24, $0x38;
	[tilespmem:$0x10000] =	vst v63  }
0x3e: {  	s15 =	rddreg [dreg:$0x6]  }
0x3f: {  	[hbm4b:s15+s24] =	stream.strided.scatter [tilespmem:s26], [sflag:$0x3], $0x4000, s25, s24, $0x38;
	[tilespmem:$0x10000] =	vst v63  }
0x40: {  	_ =	swait.ge [sflag:s28], $0x4000  }
0x41: {  	[sflag:s28] =	ssyncset.done $0x0  }
0x42: {  	s6 =	simm.s32 $0x0;
	[sflag:s28] =	ssyncadd.s32 $0xFFFFC000  }
0x43: {  	v5 =	vld [tilespmem:s6+$0x4070]  }
0x44: {  	v6 =	vld [tilespmem:s6+$0x4000]  }
0x45: {  	v7 =	vld [tilespmem:s6+$0x4010]  }
0x46: {  	v12 =	vld [tilespmem:s6+$0x4020]  }
0x47: {  	v11 =	vld [tilespmem:s6+$0x4030]  }
0x48: {  	v8 =	vld [tilespmem:s6+$0x4040];
	v5 =	vadd.f32 v5, v13  }
0x49: {  	v9 =	vld [tilespmem:s6+$0x4050];
	v6 =	vadd.f32 v6, v14  }
0x4a: {  	s7 =	simm.s32 $0x400;
	s3 =	simm.s32 $0x80;
	v10 =	vld [tilespmem:s6+$0x4060];
	v7 =	vadd.f32 v7, v17;
	[tilespmem:s6+$0xC070] =	vst v5  }
.LBB2_4:
0x4b: {  	p1 =	sne.s32 s7, $0xFE00;
	v13 =	vld [tilespmem:s3+$0x4070];
	[tilespmem:s6+$0xC000] =	vst v6;
	v4 =	vadd.f32 v12, v4  }
0x4c: {  	v14 =	vld [tilespmem:s3+$0x4000];
	[tilespmem:s6+$0xC010] =	vst v7;
	v3 =	vadd.f32 v11, v3  }
0x4d: {  	v15 =	vld [tilespmem:s3+$0x4010];
	[tilespmem:s6+$0xC020] =	vst v4;
	v2 =	vadd.f32 v8, v2  }
.Ltmp1:
0x4e: {  	v12 =	vld [tilespmem:s3+$0x4020];
	[tilespmem:s6+$0xC030] =	vst v3;
	v1 =	vadd.f32 v9, v1;
	(pc) =	sbr.rel @p1 .LBB2_4-.Ltmp1, $4  }
0x4f: {  	v11 =	vld [tilespmem:s3+$0x4030];
	[tilespmem:s6+$0xC040] =	vst v2;
	v0 =	vadd.f32 v10, v0  }
0x50: {  	v8 =	vld [tilespmem:s3+$0x4040];
	v5 =	vadd.f32 v13, v5;
	[tilespmem:s6+$0xC050] =	vst v1  }
0x51: {  	v6 =	vadd.f32 v14, v6;
	v9 =	vld [tilespmem:s3+$0x4050];
	[tilespmem:s6+$0xC060] =	vst v0;
	s6 =	smov.u32 s3  }
0x52: {  	s3 =	sshra.s32 s7, $0x2;
	s7 =	sadd.s32 $0x200, s7;
	v7 =	vadd.f32 v15, v7;
	v10 =	vld [tilespmem:s6+$0x4060];
	[tilespmem:s6+$0xC070] =	vst v5  }
0x53: {  	v13 =	vld [tilespmem:s3+$0x4070];
	[tilespmem:s6+$0xC000] =	vst v6;
	v4 =	vadd.f32 v12, v4  }
0x54: {  	v14 =	vld [tilespmem:s3+$0x4000];
	[tilespmem:s6+$0xC010] =	vst v7;
	v3 =	vadd.f32 v11, v3  }
0x55: {  	v61 =	vld [tilespmem:s3+$0x4010];
	[tilespmem:s6+$0xC020] =	vst v4;
	v2 =	vadd.f32 v8, v2  }
0x56: {  	v62 =	vld [tilespmem:s3+$0x4020];
	[tilespmem:s6+$0xC030] =	vst v3;
	v9 =	vadd.f32 v9, v1  }
0x57: {  	v8 =	vld [tilespmem:s3+$0x4030];
	[tilespmem:s6+$0xC040] =	vst v2;
	v10 =	vadd.f32 v10, v0  }
0x58: {  	v15 =	vld [tilespmem:s3+$0x4040];
	[tilespmem:s6+$0xC050] =	vst v9;
	v5 =	vadd.f32 v13, v5  }
0x59: {  	v16 =	vld [tilespmem:s3+$0x4050];
	[tilespmem:s6+$0xC060] =	vst v10;
	v6 =	vadd.f32 v14, v6  }
0x5a: {  	v63 =	vld [tilespmem:s3+$0x4060];
	v7 =	vadd.f32 v61, v7;
	[tilespmem:s3+$0xC070] =	vst v5  }
0x5b: {  	[tilespmem:s3+$0xC000] =	vst v6;
	v0 =	vadd.f32 v62, v4  }
0x5c: {  	[tilespmem:s3+$0xC010] =	vst v7;
	v1 =	vadd.f32 v8, v3  }
0x5d: {  	[tilespmem:s3+$0xC020] =	vst v0;
	v2 =	vadd.f32 v15, v2  }
0x5e: {  	[tilespmem:s3+$0xC030] =	vst v1;
	v3 =	vadd.f32 v16, v9  }
0x5f: {  	[tilespmem:s3+$0xC040] =	vst v2;
	v4 =	vadd.f32 v63, v10  }
0x60: {  	[tilespmem:s3+$0xC050] =	vst v3  }
0x61: {  	s12 =	rddreg [dreg:$0x7];
	[tilespmem:s3+$0xC060] =	vst v4  }
0x62: {  	[tilespmem:s25], [sflag:$0x2] =	stream.strided.gather [hbm4b:s12+s24], $0x4000, s25, s24, $0x38;
	[tilespmem:$0x10000] =	vst v63  }
0x63: {  	s15 =	rddreg [dreg:$0x8];
	s3 =	simm.s32 $0x1  }
0x64: {  	[hbm4b:s15+s24] =	stream.strided.scatter [tilespmem:s29], [sflag:$0x4], $0x4000, s25, s24, $0x38;
	[tilespmem:$0x10000] =	vst v63  }
.LBB2_6:
0x65: {  	_ =	swait.ge [sflag:s5], $0x4000  }
0x66: {  	[sflag:s5] =	ssyncset.done $0x0  }
0x67: {  	[sflag:s5] =	ssyncadd.s32 $0xFFFFC000  }
0x68: {  	_ =	swait.ge [sflag:s30], $0x4000  }
0x69: {  	[sflag:s30] =	ssyncset.done $0x0  }
0x6a: {  	s11 =	simm.s32 $0x0;
	[sflag:s30] =	ssyncadd.s32 $0xFFFFC000  }
0x6b: {  	v10 =	vld [tilespmem:s11+$0x70]  }
0x6c: {  	v13 =	vld [tilespmem:s11+$0x0]  }
0x6d: {  	v14 =	vld [tilespmem:s11+$0x10]  }
0x6e: {  	v11 =	vld [tilespmem:s11+$0x20]  }
0x6f: {  	s6 =	sshll.u32 s3, $0x13;
	v9 =	vld [tilespmem:s11+$0x30]  }
0x70: {  	s7 =	sor.u32 s6, s4;
	v8 =	vld [tilespmem:s11+$0x40];
	v5 =	vadd.f32 v10, v5  }
0x71: {  	s7 =	sshrl.u32 s7, $0x3;
	v10 =	vld [tilespmem:s11+$0x50];
	v6 =	vadd.f32 v13, v6  }
0x72: {  	s10 =	simm.s32 $0x80;
	s12 =	simm.s32 $0x400;
	s8 =	sadd.s32 s2, s7;
	v12 =	vld [tilespmem:s11+$0x60];
	v7 =	vadd.f32 v14, v7;
	[tilespmem:s11+$0x8070] =	vst v5  }
.LBB2_7:
0x73: {  	p1 =	sne.s32 s12, $0xFE00;
	v13 =	vld [tilespmem:s10+$0x70];
	[tilespmem:s11+$0x8000] =	vst v6;
	v0 =	vadd.f32 v11, v0  }
0x74: {  	v14 =	vld [tilespmem:s10+$0x0];
	[tilespmem:s11+$0x8010] =	vst v7;
	v1 =	vadd.f32 v9, v1  }
0x75: {  	v15 =	vld [tilespmem:s10+$0x10];
	[tilespmem:s11+$0x8020] =	vst v0;
	v2 =	vadd.f32 v8, v2  }
.Ltmp2:
0x76: {  	v11 =	vld [tilespmem:s10+$0x20];
	[tilespmem:s11+$0x8030] =	vst v1;
	v3 =	vadd.f32 v10, v3;
	(pc) =	sbr.rel @p1 .LBB2_7-.Ltmp2, $4  }
0x77: {  	v9 =	vld [tilespmem:s10+$0x30];
	[tilespmem:s11+$0x8040] =	vst v2;
	v4 =	vadd.f32 v12, v4  }
0x78: {  	v8 =	vld [tilespmem:s10+$0x40];
	v5 =	vadd.f32 v13, v5;
	[tilespmem:s11+$0x8050] =	vst v3  }
0x79: {  	v6 =	vadd.f32 v14, v6;
	v10 =	vld [tilespmem:s10+$0x50];
	[tilespmem:s11+$0x8060] =	vst v4;
	s11 =	smov.u32 s10  }
0x7a: {  	s10 =	sshra.s32 s12, $0x2;
	s12 =	sadd.s32 $0x200, s12;
	v7 =	vadd.f32 v15, v7;
	v12 =	vld [tilespmem:s11+$0x60];
	[tilespmem:s11+$0x8070] =	vst v5  }
0x7b: {  	v13 =	vld [tilespmem:s10+$0x70];
	[tilespmem:s11+$0x8000] =	vst v6;
	v0 =	vadd.f32 v11, v0  }
0x7c: {  	v14 =	vld [tilespmem:s10+$0x0];
	[tilespmem:s11+$0x8010] =	vst v7;
	v1 =	vadd.f32 v9, v1  }
0x7d: {  	v11 =	vld [tilespmem:s10+$0x10];
	[tilespmem:s11+$0x8020] =	vst v0;
	v2 =	vadd.f32 v8, v2  }
0x7e: {  	v9 =	vld [tilespmem:s10+$0x20];
	[tilespmem:s11+$0x8030] =	vst v1;
	v10 =	vadd.f32 v10, v3  }
0x7f: {  	v8 =	vld [tilespmem:s10+$0x30];
	[tilespmem:s11+$0x8040] =	vst v2;
	v12 =	vadd.f32 v12, v4  }
0x80: {  	v15 =	vld [tilespmem:s10+$0x40];
	[tilespmem:s11+$0x8050] =	vst v10;
	v5 =	vadd.f32 v13, v5  }
0x81: {  	v16 =	vld [tilespmem:s10+$0x50];
	[tilespmem:s11+$0x8060] =	vst v12;
	v6 =	vadd.f32 v14, v6  }
0x82: {  	v13 =	vld [tilespmem:s10+$0x60];
	v7 =	vadd.f32 v11, v7;
	[tilespmem:s10+$0x8070] =	vst v5  }
0x83: {  	[tilespmem:s10+$0x8000] =	vst v6;
	v4 =	vadd.f32 v9, v0  }
0x84: {  	[tilespmem:s10+$0x8010] =	vst v7;
	v3 =	vadd.f32 v8, v1  }
0x85: {  	[tilespmem:s10+$0x8020] =	vst v4;
	v0 =	vadd.f32 v15, v2  }
0x86: {  	p1 =	seq.s32 s3, $0xF;
	[tilespmem:s10+$0x8030] =	vst v3;
	v1 =	vadd.f32 v16, v10  }
0x87: {  	s11 =	sadd.s32 @!p1 s6, s13;
	[tilespmem:s10+$0x8040] =	vst v0;
	v2 =	vadd.f32 v13, v12  }
0x88: {  	s12 =	simm.s32 @!p1 $0x4000;
	s11 =	sshrl.u32 @!p1 s11, $0x3;
	[tilespmem:s10+$0x8050] =	vst v1  }
0x89: {  	s15 =	simm.s32 @!p1 $0x0;
	s11 =	sadd.s32 @!p1 s1, s11;
	[tilespmem:s10+$0x8060] =	vst v2;
	s10 =	simm.s32 @!p1 $0x400  }
0x8a: {  	[tilespmem:s15], [sflag:$0x1] =	stream.strided.gather @!p1 [hbm4b:s11+s10], $0x4000, s12, s10, $0x38;
	[tilespmem:$0x10000] =	vst v63  }
0x8b: {  	_ = 	snop  }
0x8c: {  	[hbm4b:s8+s24] =	stream.strided.scatter [tilespmem:s26], [sflag:$0x3], $0x4000, s25, s24, $0x38;
	[tilespmem:$0x10000] =	vst v63  }
0x8d: {  	_ =	swait.ge [sflag:s28], $0x4000  }
0x8e: {  	[sflag:s28] =	ssyncset.done $0x0  }
0x8f: {  	[sflag:s28] =	ssyncadd.s32 $0xFFFFC000  }
0x90: {  	_ =	swait.ge [sflag:s31], $0x4000  }
0x91: {  	[sflag:s31] =	ssyncset.done $0x0  }
0x92: {  	s10 =	simm.s32 $0x0;
	[sflag:s31] =	ssyncadd.s32 $0xFFFFC000  }
0x93: {  	v9 =	vld [tilespmem:s10+$0x4070]  }
0x94: {  	v13 =	vld [tilespmem:s10+$0x4000]  }
0x95: {  	v14 =	vld [tilespmem:s10+$0x4010]  }
0x96: {  	v12 =	vld [tilespmem:s10+$0x4020]  }
0x97: {  	v10 =	vld [tilespmem:s10+$0x4030]  }
0x98: {  	v8 =	vld [tilespmem:s10+$0x4040];
	v5 =	vadd.f32 v9, v5  }
0x99: {  	s7 =	sadd.s32 s7, s2;
	v9 =	vld [tilespmem:s10+$0x4050];
	v6 =	vadd.f32 v13, v6  }
0x9a: {  	s7 =	sadd.s32 $0x8000, s7;
	s11 =	simm.s32 $0x400;
	s8 =	simm.s32 $0x80;
	v11 =	vld [tilespmem:s10+$0x4060];
	v7 =	vadd.f32 v14, v7;
	[tilespmem:s10+$0xC070] =	vst v5  }
.LBB2_9:
0x9b: {  	p2 =	sne.s32 s11, $0xFE00;
	v13 =	vld [tilespmem:s8+$0x4070];
	[tilespmem:s10+$0xC000] =	vst v6;
	v4 =	vadd.f32 v12, v4  }
0x9c: {  	v14 =	vld [tilespmem:s8+$0x4000];
	[tilespmem:s10+$0xC010] =	vst v7;
	v3 =	vadd.f32 v10, v3  }
0x9d: {  	v15 =	vld [tilespmem:s8+$0x4010];
	[tilespmem:s10+$0xC020] =	vst v4;
	v0 =	vadd.f32 v8, v0  }
.Ltmp3:
0x9e: {  	v12 =	vld [tilespmem:s8+$0x4020];
	[tilespmem:s10+$0xC030] =	vst v3;
	v1 =	vadd.f32 v9, v1;
	(pc) =	sbr.rel @p2 .LBB2_9-.Ltmp3, $4  }
0x9f: {  	v10 =	vld [tilespmem:s8+$0x4030];
	[tilespmem:s10+$0xC040] =	vst v0;
	v2 =	vadd.f32 v11, v2  }
0xa0: {  	v8 =	vld [tilespmem:s8+$0x4040];
	v5 =	vadd.f32 v13, v5;
	[tilespmem:s10+$0xC050] =	vst v1  }
0xa1: {  	v6 =	vadd.f32 v14, v6;
	v9 =	vld [tilespmem:s8+$0x4050];
	[tilespmem:s10+$0xC060] =	vst v2;
	s10 =	smov.u32 s8  }
0xa2: {  	s8 =	sshra.s32 s11, $0x2;
	s11 =	sadd.s32 $0x200, s11;
	v7 =	vadd.f32 v15, v7;
	v11 =	vld [tilespmem:s10+$0x4060];
	[tilespmem:s10+$0xC070] =	vst v5  }
0xa3: {  	v13 =	vld [tilespmem:s8+$0x4070];
	[tilespmem:s10+$0xC000] =	vst v6;
	v4 =	vadd.f32 v12, v4  }
0xa4: {  	v14 =	vld [tilespmem:s8+$0x4000];
	[tilespmem:s10+$0xC010] =	vst v7;
	v3 =	vadd.f32 v10, v3  }
0xa5: {  	v61 =	vld [tilespmem:s8+$0x4010];
	[tilespmem:s10+$0xC020] =	vst v4;
	v8 =	vadd.f32 v8, v0  }
0xa6: {  	v62 =	vld [tilespmem:s8+$0x4020];
	[tilespmem:s10+$0xC030] =	vst v3;
	v9 =	vadd.f32 v9, v1  }
0xa7: {  	v15 =	vld [tilespmem:s8+$0x4030];
	[tilespmem:s10+$0xC040] =	vst v8;
	v11 =	vadd.f32 v11, v2  }
0xa8: {  	v16 =	vld [tilespmem:s8+$0x4040];
	[tilespmem:s10+$0xC050] =	vst v9;
	v5 =	vadd.f32 v13, v5  }
0xa9: {  	v17 =	vld [tilespmem:s8+$0x4050];
	[tilespmem:s10+$0xC060] =	vst v11;
	v6 =	vadd.f32 v14, v6  }
0xaa: {  	v63 =	vld [tilespmem:s8+$0x4060];
	v7 =	vadd.f32 v61, v7;
	[tilespmem:s8+$0xC070] =	vst v5  }
0xab: {  	[tilespmem:s8+$0xC000] =	vst v6;
	v0 =	vadd.f32 v62, v4  }
0xac: {  	[tilespmem:s8+$0xC010] =	vst v7;
	v1 =	vadd.f32 v15, v3  }
0xad: {  	[tilespmem:s8+$0xC020] =	vst v0;
	v2 =	vadd.f32 v16, v8  }
0xae: {  	[tilespmem:s8+$0xC030] =	vst v1;
	v3 =	vadd.f32 v17, v9  }
0xaf: {  	s6 =	sadd.s32 @!p1 s6, s14;
	[tilespmem:s8+$0xC040] =	vst v2;
	v4 =	vadd.f32 v63, v11  }
0xb0: {  	s3 =	sadd.s32 $0x1, s3;
	s6 =	sshrl.u32 @!p1 s6, $0x3;
	[tilespmem:s8+$0xC050] =	vst v3  }
0xb1: {  	s6 =	sadd.s32 @!p1 s1, s6;
	s10 =	simm.s32 @!p1 $0x4000;
	[tilespmem:s8+$0xC060] =	vst v4;
	s8 =	simm.s32 @!p1 $0x400  }
0xb2: {  	[tilespmem:s10], [sflag:$0x2] =	stream.strided.gather @!p1 [hbm4b:s6+s8], $0x4000, s10, s8, $0x38;
	[tilespmem:$0x10000] =	vst v63  }
0xb3: {  	p1 =	sne.s32 s3, $0x10  }
.Ltmp4:
0xb4: {  	_ = 	snop;
	(pc) =	sbr.rel @p1 .LBB2_6-.Ltmp4, $2  }
0xb5: {  	_ =	sdelay $0x2  }
0xb6: {  	[hbm4b:s7+s24] =	stream.strided.scatter [tilespmem:s29], [sflag:$0x4], $0x4000, s25, s24, $0x38;
	[tilespmem:$0x10000] =	vst v63  }
0xb7: {  	_ =	swait.ge [sflag:s30], $0x4000  }
0xb8: {  	[sflag:s30] =	ssyncset.done $0x0  }
0xb9: {  	[sflag:s30] =	ssyncadd.s32 $0xFFFFC000  }
0xba: {  	_ =	swait.ge [sflag:s31], $0x4000  }
0xbb: {  	[sflag:s31] =	ssyncset.done $0x0  }
0xbc: {  	s3 =	simm.s32 $0x0;
	s6 =	rddreg [dreg:$0x9];
	[sflag:s31] =	ssyncadd.s32 $0xFFFFC000  }
0xbd: {  	[tilespmem:s3], [sflag:$0x1] =	stream.strided.gather [hbm4b:s6+s24], $0x4000, s25, s24, $0x38;
	[tilespmem:$0x10000] =	vst v63  }
0xbe: {  	_ = 	snop  }
0xbf: {  	[tilespmem:s25], [sflag:$0x2] =	stream.strided.gather [hbm4b:s16+s24], $0x4000, s25, s24, $0x38;
	[tilespmem:$0x10000] =	vst v63  }
0xc0: {  	_ =	swait.ge [sflag:s5], $0x4000  }
0xc1: {  	[sflag:s5] =	ssyncset.done $0x0  }
0xc2: {  	s6 =	simm.s32 $0x0;
	[sflag:s5] =	ssyncadd.s32 $0xFFFFC000  }
0xc3: {  	v0 =	vld [tilespmem:s6+$0x70]  }
0xc4: {  	v1 =	vld [tilespmem:s6+$0x0]  }
0xc5: {  	v4 =	vld [tilespmem:s6+$0x10]  }
0xc6: {  	v11 =	vld [tilespmem:s6+$0x20]  }
0xc7: {  	v3 =	vimm.f32 $0.0e+00;
	v10 =	vld [tilespmem:s6+$0x30]  }
0xc8: {  	v8 =	vld [tilespmem:s6+$0x40];
	v2 =	vadd.f32 v0, v3  }
0xc9: {  	v6 =	vimm.f32 $0.0e+00;
	v7 =	vimm.f32 $0.0e+00;
	v9 =	vld [tilespmem:s6+$0x50];
	v1 =	vadd.f32 v1, v3  }
0xca: {  	s7 =	simm.s32 $0x400;
	v5 =	vimm.f32 $0.0e+00;
	s3 =	simm.s32 $0x80;
	v12 =	vld [tilespmem:s6+$0x60];
	v0 =	vadd.f32 v4, v3;
	v4 =	vimm.f32 $0.0e+00;
	[tilespmem:s6+$0x8070] =	vst v2  }
.LBB2_12:
0xcb: {  	p1 =	sne.s32 s7, $0xFE00;
	v13 =	vld [tilespmem:s3+$0x70];
	[tilespmem:s6+$0x8000] =	vst v1;
	v3 =	vadd.f32 v11, v3  }
0xcc: {  	v14 =	vld [tilespmem:s3+$0x0];
	[tilespmem:s6+$0x8010] =	vst v0;
	v6 =	vadd.f32 v10, v6  }
0xcd: {  	v15 =	vld [tilespmem:s3+$0x10];
	[tilespmem:s6+$0x8020] =	vst v3;
	v7 =	vadd.f32 v8, v7  }
.Ltmp5:
0xce: {  	v11 =	vld [tilespmem:s3+$0x20];
	[tilespmem:s6+$0x8030] =	vst v6;
	v5 =	vadd.f32 v9, v5;
	(pc) =	sbr.rel @p1 .LBB2_12-.Ltmp5, $4  }
0xcf: {  	v10 =	vld [tilespmem:s3+$0x30];
	[tilespmem:s6+$0x8040] =	vst v7;
	v4 =	vadd.f32 v12, v4  }
0xd0: {  	v8 =	vld [tilespmem:s3+$0x40];
	v2 =	vadd.f32 v13, v2;
	[tilespmem:s6+$0x8050] =	vst v5  }
0xd1: {  	v1 =	vadd.f32 v14, v1;
	v9 =	vld [tilespmem:s3+$0x50];
	[tilespmem:s6+$0x8060] =	vst v4;
	s6 =	smov.u32 s3  }
0xd2: {  	s3 =	sshra.s32 s7, $0x2;
	s7 =	sadd.s32 $0x200, s7;
	v0 =	vadd.f32 v15, v0;
	v12 =	vld [tilespmem:s6+$0x60];
	[tilespmem:s6+$0x8070] =	vst v2  }
0xd3: {  	v13 =	vld [tilespmem:s3+$0x70];
	[tilespmem:s6+$0x8000] =	vst v1;
	v3 =	vadd.f32 v11, v3  }
0xd4: {  	v14 =	vld [tilespmem:s3+$0x0];
	[tilespmem:s6+$0x8010] =	vst v0;
	v6 =	vadd.f32 v10, v6  }
0xd5: {  	v11 =	vld [tilespmem:s3+$0x10];
	[tilespmem:s6+$0x8020] =	vst v3;
	v7 =	vadd.f32 v8, v7  }
0xd6: {  	v10 =	vld [tilespmem:s3+$0x20];
	[tilespmem:s6+$0x8030] =	vst v6;
	v5 =	vadd.f32 v9, v5  }
0xd7: {  	v8 =	vld [tilespmem:s3+$0x30];
	[tilespmem:s6+$0x8040] =	vst v7;
	v12 =	vadd.f32 v12, v4  }
0xd8: {  	v9 =	vld [tilespmem:s3+$0x40];
	[tilespmem:s6+$0x8050] =	vst v5;
	v13 =	vadd.f32 v13, v2  }
0xd9: {  	v15 =	vld [tilespmem:s3+$0x50];
	[tilespmem:s6+$0x8060] =	vst v12;
	v14 =	vadd.f32 v14, v1  }
0xda: {  	v16 =	vld [tilespmem:s3+$0x60];
	v17 =	vadd.f32 v11, v0;
	[tilespmem:s3+$0x8070] =	vst v13  }
0xdb: {  	[tilespmem:s3+$0x8000] =	vst v14;
	v4 =	vadd.f32 v10, v3  }
0xdc: {  	[tilespmem:s3+$0x8010] =	vst v17;
	v3 =	vadd.f32 v8, v6  }
0xdd: {  	[tilespmem:s3+$0x8020] =	vst v4;
	v2 =	vadd.f32 v9, v7  }
0xde: {  	[tilespmem:s3+$0x8030] =	vst v3;
	v1 =	vadd.f32 v15, v5  }
0xdf: {  	[tilespmem:s3+$0x8040] =	vst v2;
	v0 =	vadd.f32 v16, v12  }
0xe0: {  	[tilespmem:s3+$0x8050] =	vst v1  }
0xe1: {  	s15 =	simm.s32 $0x0;
	[tilespmem:s3+$0x8060] =	vst v0  }
0xe2: {  	[tilespmem:s15], [sflag:$0x1] =	stream.strided.gather [hbm4b:s17+s24], $0x4000, s25, s24, $0x38;
	[tilespmem:$0x10000] =	vst v63  }
0xe3: {  	_ = 	snop  }
0xe4: {  	[hbm4b:s18+s24] =	stream.strided.scatter [tilespmem:s26], [sflag:$0x3], $0x4000, s25, s24, $0x38;
	[tilespmem:$0x10000] =	vst v63  }
0xe5: {  	_ =	swait.ge [sflag:s28], $0x4000  }
0xe6: {  	[sflag:s28] =	ssyncset.done $0x0  }
0xe7: {  	s6 =	simm.s32 $0x0;
	[sflag:s28] =	ssyncadd.s32 $0xFFFFC000  }
0xe8: {  	v5 =	vld [tilespmem:s6+$0x4070]  }
0xe9: {  	v6 =	vld [tilespmem:s6+$0x4000]  }
0xea: {  	v7 =	vld [tilespmem:s6+$0x4010]  }
0xeb: {  	v12 =	vld [tilespmem:s6+$0x4020]  }
0xec: {  	v11 =	vld [tilespmem:s6+$0x4030]  }
0xed: {  	v8 =	vld [tilespmem:s6+$0x4040];
	v5 =	vadd.f32 v5, v13  }
0xee: {  	v9 =	vld [tilespmem:s6+$0x4050];
	v6 =	vadd.f32 v6, v14  }
0xef: {  	s7 =	simm.s32 $0x400;
	s3 =	simm.s32 $0x80;
	v10 =	vld [tilespmem:s6+$0x4060];
	v7 =	vadd.f32 v7, v17;
	[tilespmem:s6+$0xC070] =	vst v5  }
.LBB2_14:
0xf0: {  	p1 =	sne.s32 s7, $0xFE00;
	v13 =	vld [tilespmem:s3+$0x4070];
	[tilespmem:s6+$0xC000] =	vst v6;
	v4 =	vadd.f32 v12, v4  }
0xf1: {  	v14 =	vld [tilespmem:s3+$0x4000];
	[tilespmem:s6+$0xC010] =	vst v7;
	v3 =	vadd.f32 v11, v3  }
0xf2: {  	v15 =	vld [tilespmem:s3+$0x4010];
	[tilespmem:s6+$0xC020] =	vst v4;
	v2 =	vadd.f32 v8, v2  }
.Ltmp6:
0xf3: {  	v12 =	vld [tilespmem:s3+$0x4020];
	[tilespmem:s6+$0xC030] =	vst v3;
	v1 =	vadd.f32 v9, v1;
	(pc) =	sbr.rel @p1 .LBB2_14-.Ltmp6, $4  }
0xf4: {  	v11 =	vld [tilespmem:s3+$0x4030];
	[tilespmem:s6+$0xC040] =	vst v2;
	v0 =	vadd.f32 v10, v0  }
0xf5: {  	v8 =	vld [tilespmem:s3+$0x4040];
	v5 =	vadd.f32 v13, v5;
	[tilespmem:s6+$0xC050] =	vst v1  }
0xf6: {  	v6 =	vadd.f32 v14, v6;
	v9 =	vld [tilespmem:s3+$0x4050];
	[tilespmem:s6+$0xC060] =	vst v0;
	s6 =	smov.u32 s3  }
0xf7: {  	s3 =	sshra.s32 s7, $0x2;
	s7 =	sadd.s32 $0x200, s7;
	v7 =	vadd.f32 v15, v7;
	v10 =	vld [tilespmem:s6+$0x4060];
	[tilespmem:s6+$0xC070] =	vst v5  }
0xf8: {  	v13 =	vld [tilespmem:s3+$0x4070];
	[tilespmem:s6+$0xC000] =	vst v6;
	v4 =	vadd.f32 v12, v4  }
0xf9: {  	v14 =	vld [tilespmem:s3+$0x4000];
	[tilespmem:s6+$0xC010] =	vst v7;
	v3 =	vadd.f32 v11, v3  }
0xfa: {  	v61 =	vld [tilespmem:s3+$0x4010];
	[tilespmem:s6+$0xC020] =	vst v4;
	v2 =	vadd.f32 v8, v2  }
0xfb: {  	v62 =	vld [tilespmem:s3+$0x4020];
	[tilespmem:s6+$0xC030] =	vst v3;
	v9 =	vadd.f32 v9, v1  }
0xfc: {  	v8 =	vld [tilespmem:s3+$0x4030];
	[tilespmem:s6+$0xC040] =	vst v2;
	v10 =	vadd.f32 v10, v0  }
0xfd: {  	v15 =	vld [tilespmem:s3+$0x4040];
	[tilespmem:s6+$0xC050] =	vst v9;
	v5 =	vadd.f32 v13, v5  }
0xfe: {  	v16 =	vld [tilespmem:s3+$0x4050];
	[tilespmem:s6+$0xC060] =	vst v10;
	v6 =	vadd.f32 v14, v6  }
0xff: {  	v63 =	vld [tilespmem:s3+$0x4060];
	v7 =	vadd.f32 v61, v7;
	[tilespmem:s3+$0xC070] =	vst v5  }
0x100: {  	[tilespmem:s3+$0xC000] =	vst v6;
	v0 =	vadd.f32 v62, v4  }
0x101: {  	[tilespmem:s3+$0xC010] =	vst v7;
	v1 =	vadd.f32 v8, v3  }
0x102: {  	[tilespmem:s3+$0xC020] =	vst v0;
	v2 =	vadd.f32 v15, v2  }
0x103: {  	[tilespmem:s3+$0xC030] =	vst v1;
	v3 =	vadd.f32 v16, v9  }
0x104: {  	[tilespmem:s3+$0xC040] =	vst v2;
	v4 =	vadd.f32 v63, v10  }
0x105: {  	[tilespmem:s3+$0xC050] =	vst v3  }
0x106: {  	[tilespmem:s3+$0xC060] =	vst v4  }
0x107: {  	[tilespmem:s25], [sflag:$0x2] =	stream.strided.gather [hbm4b:s19+s24], $0x4000, s25, s24, $0x38;
	[tilespmem:$0x10000] =	vst v63  }
0x108: {  	s3 =	simm.s32 $0x1  }
0x109: {  	[hbm4b:s20+s24] =	stream.strided.scatter [tilespmem:s29], [sflag:$0x4], $0x4000, s25, s24, $0x38;
	[tilespmem:$0x10000] =	vst v63  }
.LBB2_16:
0x10a: {  	_ =	swait.ge [sflag:s5], $0x4000  }
0x10b: {  	[sflag:s5] =	ssyncset.done $0x0  }
0x10c: {  	[sflag:s5] =	ssyncadd.s32 $0xFFFFC000  }
0x10d: {  	_ =	swait.ge [sflag:s30], $0x4000  }
0x10e: {  	[sflag:s30] =	ssyncset.done $0x0  }
0x10f: {  	s11 =	simm.s32 $0x0;
	[sflag:s30] =	ssyncadd.s32 $0xFFFFC000  }
0x110: {  	v10 =	vld [tilespmem:s11+$0x70]  }
0x111: {  	v13 =	vld [tilespmem:s11+$0x0]  }
0x112: {  	v14 =	vld [tilespmem:s11+$0x10]  }
0x113: {  	v11 =	vld [tilespmem:s11+$0x20]  }
0x114: {  	s6 =	sshll.u32 s3, $0x13;
	v9 =	vld [tilespmem:s11+$0x30]  }
0x115: {  	s7 =	sor.u32 s6, s9;
	v8 =	vld [tilespmem:s11+$0x40];
	v5 =	vadd.f32 v10, v5  }
0x116: {  	s7 =	sshrl.u32 s7, $0x3;
	v10 =	vld [tilespmem:s11+$0x50];
	v6 =	vadd.f32 v13, v6  }
0x117: {  	s10 =	simm.s32 $0x80;
	s12 =	simm.s32 $0x400;
	s8 =	sadd.s32 s2, s7;
	v12 =	vld [tilespmem:s11+$0x60];
	v7 =	vadd.f32 v14, v7;
	[tilespmem:s11+$0x8070] =	vst v5  }
.LBB2_17:
0x118: {  	p1 =	sne.s32 s12, $0xFE00;
	v13 =	vld [tilespmem:s10+$0x70];
	[tilespmem:s11+$0x8000] =	vst v6;
	v0 =	vadd.f32 v11, v0  }
0x119: {  	v14 =	vld [tilespmem:s10+$0x0];
	[tilespmem:s11+$0x8010] =	vst v7;
	v1 =	vadd.f32 v9, v1  }
0x11a: {  	v15 =	vld [tilespmem:s10+$0x10];
	[tilespmem:s11+$0x8020] =	vst v0;
	v2 =	vadd.f32 v8, v2  }
.Ltmp7:
0x11b: {  	v11 =	vld [tilespmem:s10+$0x20];
	[tilespmem:s11+$0x8030] =	vst v1;
	v3 =	vadd.f32 v10, v3;
	(pc) =	sbr.rel @p1 .LBB2_17-.Ltmp7, $4  }
0x11c: {  	v9 =	vld [tilespmem:s10+$0x30];
	[tilespmem:s11+$0x8040] =	vst v2;
	v4 =	vadd.f32 v12, v4  }
0x11d: {  	v8 =	vld [tilespmem:s10+$0x40];
	v5 =	vadd.f32 v13, v5;
	[tilespmem:s11+$0x8050] =	vst v3  }
0x11e: {  	v6 =	vadd.f32 v14, v6;
	v10 =	vld [tilespmem:s10+$0x50];
	[tilespmem:s11+$0x8060] =	vst v4;
	s11 =	smov.u32 s10  }
0x11f: {  	s10 =	sshra.s32 s12, $0x2;
	s12 =	sadd.s32 $0x200, s12;
	v7 =	vadd.f32 v15, v7;
	v12 =	vld [tilespmem:s11+$0x60];
	[tilespmem:s11+$0x8070] =	vst v5  }
0x120: {  	v13 =	vld [tilespmem:s10+$0x70];
	[tilespmem:s11+$0x8000] =	vst v6;
	v0 =	vadd.f32 v11, v0  }
0x121: {  	v14 =	vld [tilespmem:s10+$0x0];
	[tilespmem:s11+$0x8010] =	vst v7;
	v1 =	vadd.f32 v9, v1  }
0x122: {  	v11 =	vld [tilespmem:s10+$0x10];
	[tilespmem:s11+$0x8020] =	vst v0;
	v2 =	vadd.f32 v8, v2  }
0x123: {  	v9 =	vld [tilespmem:s10+$0x20];
	[tilespmem:s11+$0x8030] =	vst v1;
	v10 =	vadd.f32 v10, v3  }
0x124: {  	v8 =	vld [tilespmem:s10+$0x30];
	[tilespmem:s11+$0x8040] =	vst v2;
	v12 =	vadd.f32 v12, v4  }
0x125: {  	v15 =	vld [tilespmem:s10+$0x40];
	[tilespmem:s11+$0x8050] =	vst v10;
	v5 =	vadd.f32 v13, v5  }
0x126: {  	v16 =	vld [tilespmem:s10+$0x50];
	[tilespmem:s11+$0x8060] =	vst v12;
	v6 =	vadd.f32 v14, v6  }
0x127: {  	v13 =	vld [tilespmem:s10+$0x60];
	v7 =	vadd.f32 v11, v7;
	[tilespmem:s10+$0x8070] =	vst v5  }
0x128: {  	[tilespmem:s10+$0x8000] =	vst v6;
	v4 =	vadd.f32 v9, v0  }
0x129: {  	[tilespmem:s10+$0x8010] =	vst v7;
	v3 =	vadd.f32 v8, v1  }
0x12a: {  	[tilespmem:s10+$0x8020] =	vst v4;
	v0 =	vadd.f32 v15, v2  }
0x12b: {  	p1 =	seq.s32 s3, $0xF;
	[tilespmem:s10+$0x8030] =	vst v3;
	v1 =	vadd.f32 v16, v10  }
0x12c: {  	s11 =	sadd.s32 @!p1 s6, s21;
	[tilespmem:s10+$0x8040] =	vst v0;
	v2 =	vadd.f32 v13, v12  }
0x12d: {  	s12 =	simm.s32 @!p1 $0x4000;
	s11 =	sshrl.u32 @!p1 s11, $0x3;
	[tilespmem:s10+$0x8050] =	vst v1  }
0x12e: {  	s15 =	simm.s32 @!p1 $0x0;
	s11 =	sadd.s32 @!p1 s1, s11;
	[tilespmem:s10+$0x8060] =	vst v2;
	s10 =	simm.s32 @!p1 $0x400  }
0x12f: {  	[tilespmem:s15], [sflag:$0x1] =	stream.strided.gather @!p1 [hbm4b:s11+s10], $0x4000, s12, s10, $0x38;
	[tilespmem:$0x10000] =	vst v63  }
0x130: {  	_ = 	snop  }
0x131: {  	[hbm4b:s8+s24] =	stream.strided.scatter [tilespmem:s26], [sflag:$0x3], $0x4000, s25, s24, $0x38;
	[tilespmem:$0x10000] =	vst v63  }
0x132: {  	_ =	swait.ge [sflag:s28], $0x4000  }
0x133: {  	[sflag:s28] =	ssyncset.done $0x0  }
0x134: {  	[sflag:s28] =	ssyncadd.s32 $0xFFFFC000  }
0x135: {  	_ =	swait.ge [sflag:s31], $0x4000  }
0x136: {  	[sflag:s31] =	ssyncset.done $0x0  }
0x137: {  	s10 =	simm.s32 $0x0;
	[sflag:s31] =	ssyncadd.s32 $0xFFFFC000  }
0x138: {  	v9 =	vld [tilespmem:s10+$0x4070]  }
0x139: {  	v13 =	vld [tilespmem:s10+$0x4000]  }
0x13a: {  	v14 =	vld [tilespmem:s10+$0x4010]  }
0x13b: {  	v12 =	vld [tilespmem:s10+$0x4020]  }
0x13c: {  	v10 =	vld [tilespmem:s10+$0x4030]  }
0x13d: {  	v8 =	vld [tilespmem:s10+$0x4040];
	v5 =	vadd.f32 v9, v5  }
0x13e: {  	s7 =	sadd.s32 s7, s2;
	v9 =	vld [tilespmem:s10+$0x4050];
	v6 =	vadd.f32 v13, v6  }
0x13f: {  	s7 =	sadd.s32 $0x8000, s7;
	s11 =	simm.s32 $0x400;
	s8 =	simm.s32 $0x80;
	v11 =	vld [tilespmem:s10+$0x4060];
	v7 =	vadd.f32 v14, v7;
	[tilespmem:s10+$0xC070] =	vst v5  }
.LBB2_19:
0x140: {  	p2 =	sne.s32 s11, $0xFE00;
	v13 =	vld [tilespmem:s8+$0x4070];
	[tilespmem:s10+$0xC000] =	vst v6;
	v4 =	vadd.f32 v12, v4  }
0x141: {  	v14 =	vld [tilespmem:s8+$0x4000];
	[tilespmem:s10+$0xC010] =	vst v7;
	v3 =	vadd.f32 v10, v3  }
0x142: {  	v15 =	vld [tilespmem:s8+$0x4010];
	[tilespmem:s10+$0xC020] =	vst v4;
	v0 =	vadd.f32 v8, v0  }
.Ltmp8:
0x143: {  	v12 =	vld [tilespmem:s8+$0x4020];
	[tilespmem:s10+$0xC030] =	vst v3;
	v1 =	vadd.f32 v9, v1;
	(pc) =	sbr.rel @p2 .LBB2_19-.Ltmp8, $4  }
0x144: {  	v10 =	vld [tilespmem:s8+$0x4030];
	[tilespmem:s10+$0xC040] =	vst v0;
	v2 =	vadd.f32 v11, v2  }
0x145: {  	v8 =	vld [tilespmem:s8+$0x4040];
	v5 =	vadd.f32 v13, v5;
	[tilespmem:s10+$0xC050] =	vst v1  }
0x146: {  	v6 =	vadd.f32 v14, v6;
	v9 =	vld [tilespmem:s8+$0x4050];
	[tilespmem:s10+$0xC060] =	vst v2;
	s10 =	smov.u32 s8  }
0x147: {  	s8 =	sshra.s32 s11, $0x2;
	s11 =	sadd.s32 $0x200, s11;
	v7 =	vadd.f32 v15, v7;
	v11 =	vld [tilespmem:s10+$0x4060];
	[tilespmem:s10+$0xC070] =	vst v5  }
0x148: {  	v13 =	vld [tilespmem:s8+$0x4070];
	[tilespmem:s10+$0xC000] =	vst v6;
	v4 =	vadd.f32 v12, v4  }
0x149: {  	v14 =	vld [tilespmem:s8+$0x4000];
	[tilespmem:s10+$0xC010] =	vst v7;
	v3 =	vadd.f32 v10, v3  }
0x14a: {  	v61 =	vld [tilespmem:s8+$0x4010];
	[tilespmem:s10+$0xC020] =	vst v4;
	v8 =	vadd.f32 v8, v0  }
0x14b: {  	v62 =	vld [tilespmem:s8+$0x4020];
	[tilespmem:s10+$0xC030] =	vst v3;
	v9 =	vadd.f32 v9, v1  }
0x14c: {  	v15 =	vld [tilespmem:s8+$0x4030];
	[tilespmem:s10+$0xC040] =	vst v8;
	v11 =	vadd.f32 v11, v2  }
0x14d: {  	v16 =	vld [tilespmem:s8+$0x4040];
	[tilespmem:s10+$0xC050] =	vst v9;
	v5 =	vadd.f32 v13, v5  }
0x14e: {  	v17 =	vld [tilespmem:s8+$0x4050];
	[tilespmem:s10+$0xC060] =	vst v11;
	v6 =	vadd.f32 v14, v6  }
0x14f: {  	v63 =	vld [tilespmem:s8+$0x4060];
	v7 =	vadd.f32 v61, v7;
	[tilespmem:s8+$0xC070] =	vst v5  }
0x150: {  	[tilespmem:s8+$0xC000] =	vst v6;
	v0 =	vadd.f32 v62, v4  }
0x151: {  	[tilespmem:s8+$0xC010] =	vst v7;
	v1 =	vadd.f32 v15, v3  }
0x152: {  	[tilespmem:s8+$0xC020] =	vst v0;
	v2 =	vadd.f32 v16, v8  }
0x153: {  	[tilespmem:s8+$0xC030] =	vst v1;
	v3 =	vadd.f32 v17, v9  }
0x154: {  	s6 =	sadd.s32 @!p1 s6, s22;
	[tilespmem:s8+$0xC040] =	vst v2;
	v4 =	vadd.f32 v63, v11  }
0x155: {  	s3 =	sadd.s32 $0x1, s3;
	s6 =	sshrl.u32 @!p1 s6, $0x3;
	[tilespmem:s8+$0xC050] =	vst v3  }
0x156: {  	s6 =	sadd.s32 @!p1 s1, s6;
	s10 =	simm.s32 @!p1 $0x4000;
	[tilespmem:s8+$0xC060] =	vst v4;
	s8 =	simm.s32 @!p1 $0x400  }
0x157: {  	[tilespmem:s10], [sflag:$0x2] =	stream.strided.gather @!p1 [hbm4b:s6+s8], $0x4000, s10, s8, $0x38;
	[tilespmem:$0x10000] =	vst v63  }
0x158: {  	p1 =	sne.s32 s3, $0x10  }
.Ltmp9:
0x159: {  	_ = 	snop;
	(pc) =	sbr.rel @p1 .LBB2_16-.Ltmp9, $2  }
0x15a: {  	_ =	sdelay $0x2  }
0x15b: {  	[hbm4b:s7+s24] =	stream.strided.scatter [tilespmem:s29], [sflag:$0x4], $0x4000, s25, s24, $0x38;
	[tilespmem:$0x10000] =	vst v63  }
0x15c: {  	s0 =	sadd.s32 $0x1, s0  }
0x15d: {  	_ =	swait.ge [sflag:s30], $0x4000;
	p1 =	sne.s32 s0, s23  }
.Ltmp10:
0x15e: {  	[sflag:s30] =	ssyncset.done $0x0;
	(pc) =	sbr.rel @p1 .LBB2_1-.Ltmp10, $4  }
0x15f: {  	[sflag:s30] =	ssyncadd.s32 $0xFFFFC000  }
0x160: {  	_ =	swait.ge [sflag:s31], $0x4000  }
0x161: {  	[sflag:s31] =	ssyncset.done $0x0  }
0x162: {  	[sflag:s31] =	ssyncadd.s32 $0xFFFFC000  }
0x163: {  	_ =	sfence.sel $0x180000  }
0x164: {  	[bflag:$0x0] =	sbarrier.arrive $0xFFFF  }
0x165: {  	_ =	strace $0x90000047  }
0x166: {  	[bflag:$0x2] =	sbarrier.arrive $0xFFFF  }
0x167: {  	s0 =	rddreg [dreg:$0x2]  }
0x168: {  	s0 =	sadd.s32 @!p0 $0x100000, s0  }
0x169: {  	[sflag:s0] =	ssyncadd.tile.s32 @!p0 $0x1;
	_ =	shalt  }
.Lfunc_end2:
_tile_overlayer_lowered:
.L_overlay_start_2:
0x16a: {  	(tag) =	ssettag $0x2  }
0x16b: {  	s0 =	rddreg [dreg:$0x0];
	s2 =	stileid.u32  }
0x16c: {  	s1 =	rddreg [dreg:$0x1];
	p0 =	sne.s32 s2, $0x0  }
0x16d: {  	s3 =	rddreg [dreg:$0x2];
	[bflag:$0x3] =	sbarrier.arrive $0xFFFF;
	s2 =	simm.s32 @!p0 $0x1C05  }
0x16e: {  	[timem:s3], [sflag:s2] =	dma.local @!p0 [hbm:s0], s1  }
0x16f: {  	s0 =	simm.s32 @!p0 $0x5  }
0x170: {  	_ =	swait.ge @!p0 [sflag:s0], s1  }
0x171: {  	s1 =	ssub.s32 @!p0 $0x0, s1;
	[sflag:s0] =	ssyncset.done @!p0 $0x0  }
0x172: {  	[sflag:s0] =	ssyncadd.s32 @!p0 s1  }
0x173: {  	[bflag:$0x3] =	sbarrier.arrive $0xFFFF  }
0x174: {  	_ =	shalt  }

</sc_bundles>
